<compile_context>
chip_gen: v7x
topology: tpu7x:2x2x1
jax: 0.10.2.dev20260603
libtpu: 0.0.44.dev20260713+nightly
codegen_flags: <defaults>
</compile_context>

<pallas_src>
import functools

import jax
import jax.numpy as jnp
from jax import lax
from jax.experimental import pallas as pl
from jax.experimental.pallas import tpu as pltpu
from jax.experimental.pallas import tpu_sc as plsc

_N = 10000
_E = 320000
_D = 128
_NC = 2
_NS = 16
_NW = _NC * _NS
_EPW = _E // _NW
_K = 128
_NCHUNK = _EPW // _K
_KT = _EPW - _NCHUNK * _K
_NP = 10112
_RPT = _NP // _NS

_RCHUNK = tuple(min(i * _K, _RPT - _K) for i in range(5))


def _sc_scatter(row, col, x, iota_arr):
  mesh = plsc.VectorSubcoreMesh(core_axis_name="c", subcore_axis_name="s")

  @functools.partial(
      pl.kernel,
      mesh=mesh,
      out_type=[
          jax.ShapeDtypeStruct((_NC, _NP, _D), jnp.float32),
          jax.ShapeDtypeStruct((_NC, _NP, _D), jnp.float32),
      ],
      scratch_types=[
          pltpu.VMEM((_K,), jnp.int32),
          pltpu.VMEM((_K,), jnp.int32),
          pltpu.VMEM((_K,), jnp.int32),
          pltpu.VMEM((_KT,), jnp.int32),
          pltpu.VMEM((_KT,), jnp.int32),
          pltpu.VMEM((_K, _D), jnp.float32),
          pltpu.VMEM((_K, _D), jnp.float32),
          pltpu.VMEM_SHARED((_NP, _D), jnp.float32),
          pltpu.SemaphoreType.DMA,
      ],
  )
  def k(row_h, col_h, x_h, iota_h, sum_h, deg_h,
        rowi, coli, iot, rowt, colt, rows, ob, acc, sem):
    cid = lax.axis_index("c")
    sid = lax.axis_index("s")
    wid = sid * _NC + cid

    zv = jnp.zeros((16,), jnp.float32)
    ov = jnp.ones((16,), jnp.float32)

    def fill_rows_zero():
      def body(r, carry):
        for cc in range(_D // 16):
          rows[r, pl.ds(cc * 16, 16)] = zv
        return carry
      lax.fori_loop(0, _K, body, 0)

    def initv(r, carry):
      for cc in range(_D // 16):
        ob[r, pl.ds(cc * 16, 16)] = ov
      return carry
    lax.fori_loop(0, _K, initv, 0)

    base_r = sid * _RPT
    ebase = wid * _EPW

    def zero_acc():
      fill_rows_zero()
      for off_s in _RCHUNK:
        off = pl.multiple_of(base_r + off_s, 8)
        pltpu.sync_copy(iota_h.at[pl.ds(off, _K)], iot)
        pltpu.sync_copy(rows, acc.at[iot])

    def drain(out_h):
      for off_s in _RCHUNK:
        off = pl.multiple_of(base_r + off_s, 8)
        pltpu.sync_copy(iota_h.at[pl.ds(off, _K)], iot)
        pltpu.async_copy(acc.at[iot], rows, sem).wait()
        pltpu.sync_copy(rows, out_h.at[cid, pl.ds(off, _K)])

    zero_acc()
    plsc.subcore_barrier()

    def chunk_a(ci, carry):
      b = pl.multiple_of(ebase + ci * _K, 8)
      pltpu.sync_copy(row_h.at[pl.ds(b, _K)], rowi)
      pltpu.sync_copy(col_h.at[pl.ds(b, _K)], coli)
      pltpu.async_copy(x_h.at[coli], rows, sem).wait()
      pltpu.sync_copy(rows, acc.at[rowi], add=True)
      return carry
    lax.fori_loop(0, _NCHUNK, chunk_a, 0)
    bt = pl.multiple_of(ebase + _NCHUNK * _K, 8)
    pltpu.sync_copy(row_h.at[pl.ds(bt, _KT)], rowt)
    pltpu.sync_copy(col_h.at[pl.ds(bt, _KT)], colt)
    pltpu.async_copy(x_h.at[colt], rows.at[pl.ds(0, _KT)], sem).wait()
    pltpu.sync_copy(rows.at[pl.ds(0, _KT)], acc.at[rowt], add=True)

    plsc.subcore_barrier()
    drain(sum_h)
    plsc.subcore_barrier()

    zero_acc()
    plsc.subcore_barrier()

    def chunk_b(ci, carry):
      b = pl.multiple_of(ebase + ci * _K, 8)
      pltpu.sync_copy(row_h.at[pl.ds(b, _K)], rowi)
      pltpu.sync_copy(ob, acc.at[rowi], add=True)
      return carry
    lax.fori_loop(0, _NCHUNK, chunk_b, 0)
    bt2 = pl.multiple_of(ebase + _NCHUNK * _K, 8)
    pltpu.sync_copy(row_h.at[pl.ds(bt2, _KT)], rowt)
    pltpu.sync_copy(ob.at[pl.ds(0, _KT)], acc.at[rowt], add=True)

    plsc.subcore_barrier()
    drain(deg_h)

  return k(row, col, x, iota_arr)


_BR = 632


def _tc_finish(sums, degs, w, b2):
  def body(s_ref, d_ref, w_ref, b_ref, o_ref):
    s = s_ref[0] + s_ref[1]
    dg = d_ref[0, :, 0:1] + d_ref[1, :, 0:1]
    sn = s / dg
    o_ref[...] = lax.dot_general(
        sn, w_ref[...],
        dimension_numbers=(((1,), (1,)), ((), ())),
        preferred_element_type=jnp.float32) + b_ref[...]

  return pl.pallas_call(
      body,
      grid=(_NP // _BR,),
      in_specs=[
          pl.BlockSpec((2, _BR, _D), lambda i: (0, i, 0)),
          pl.BlockSpec((2, _BR, _D), lambda i: (0, i, 0)),
          pl.BlockSpec((_D, _D), lambda i: (0, 0)),
          pl.BlockSpec((1, _D), lambda i: (0, 0)),
      ],
      out_specs=pl.BlockSpec((_BR, _D), lambda i: (i, 0)),
      out_shape=jax.ShapeDtypeStruct((_NP, _D), jnp.float32),
  )(sums, degs, w, b2)


def kernel(x, edge_index, W, b):
  iota_arr = jnp.arange(_NP, dtype=jnp.int32)
  sums, degs = _sc_scatter(edge_index[0], edge_index[1], x, iota_arr)
  return _tc_finish(sums, degs, W, b.reshape(1, _D))[:_N]

# --- scband reference (transcript-rebuilt; emitter-appended) ---
"""Pipeline reference for scband-abstract-gcn-54176717472164 (READ-ONLY COPY).

The authoritative reference and input builder live on the scoring server;
editing this copy changes nothing except your own understanding.
"""

import jax, jax.numpy as jnp
import numpy as np

N = 10000
E = 320000
D = 128


def setup_inputs(seed: int = 0) -> dict:
    key = jax.random.key(seed)
    k1, k2, k3, k4 = jax.random.split(key, 4)
    x = jax.random.normal(k1, (N, D), dtype=jnp.float32)
    edge_index = jax.random.randint(k2, (2, E), 0, N, dtype=jnp.int32)
    # nn.Linear(in_channels=128, out_channels=128): weight [out, in], bias [out]
    limit = 1.0 / np.sqrt(D)
    W = jax.random.uniform(k3, (D, D), minval=-limit, maxval=limit, dtype=jnp.float32)
    b = jax.random.uniform(k4, (D,), minval=-limit, maxval=limit, dtype=jnp.float32)
    return {"x": x, "edge_index": edge_index, "W": W, "b": b}


def reference(x, edge_index, W, b):
    row = edge_index[0]
    col = edge_index[1]
    # out.index_add_(0, row, x[col])
    gathered = jnp.take(x, col, axis=0)
    out = jnp.zeros_like(x).at[row].add(gathered)
    # out /= bincount(row)
    deg = jnp.bincount(row, length=N).astype(jnp.float32)
    out = out / deg[:, None]
    # self.linear(out)
    return out @ W.T + b

if __name__ == "__main__":
    import jax
    _d = setup_inputs()
    print(jax.jit(kernel)(*tuple(_d.values())))

</pallas_src>

<mosaic_0001>
#map = affine_map<(d0, d1) -> (0)>
#map1 = affine_map<(d0, d1) -> (0, 0)>
#map2 = affine_map<(d0, d1) -> (0, 0, 0)>
module attributes {stable_mosaic.version = 14 : i64} {
  func.func @k(%arg0: i32, %arg1: i32, %arg2: memref<320000xi32, #tpu.memory_space<hbm>>, %arg3: memref<320000xi32, #tpu.memory_space<hbm>>, %arg4: memref<10000x128xf32, #tpu.memory_space<hbm>>, %arg5: memref<10112xi32, #tpu.memory_space<hbm>>, %arg6: memref<2x10112x128xf32, #tpu.memory_space<hbm>>, %arg7: memref<2x10112x128xf32, #tpu.memory_space<hbm>>, %arg8: memref<128xi32, #tpu.memory_space<vmem>>, %arg9: memref<128xi32, #tpu.memory_space<vmem>>, %arg10: memref<128xi32, #tpu.memory_space<vmem>>, %arg11: memref<16xi32, #tpu.memory_space<vmem>>, %arg12: memref<16xi32, #tpu.memory_space<vmem>>, %arg13: memref<128x128xf32, #tpu.memory_space<vmem>>, %arg14: memref<128x128xf32, #tpu.memory_space<vmem>>, %arg15: memref<10112x128xf32, #tpu.memory_space<vmem_shared>>, %arg16: memref<!tpu.dma_semaphore, #tpu.memory_space<semaphore_mem>>) attributes {dimension_semantics = [#tpu.dimension_semantics<core_parallel>, #tpu.dimension_semantics<subcore_parallel>], iteration_bounds = array<i64: 2, 16>, scalar_prefetch = 0 : i64, scratch_operands = 9 : i64, tpu.core_type = #tpu.core_type<sc_vector_subcore>, window_params = [{transform_indices = #map}, {transform_indices = #map}, {transform_indices = #map1}, {transform_indices = #map}, {transform_indices = #map2}, {transform_indices = #map2}]} {
    %mul3A = arith.constant 2 : i32
    %mul3A_0 = arith.muli %arg1, %mul3A : i32
    %add3A = arith.addi %mul3A_0, %arg0 : i32
    %broadcast_in_dim3A = arith.constant 0.000000e+00 : f32
    %broadcast_in_dim3A_1 = vector.broadcast %broadcast_in_dim3A : f32 to vector<16xf32>
    %broadcast_in_dim3A_2 = arith.constant 1.000000e+00 : f32
    %broadcast_in_dim3A_3 = vector.broadcast %broadcast_in_dim3A_2 : f32 to vector<16xf32>
    %scan3A = arith.constant 0 : i32
    %scan3A_4 = arith.constant 0 : i32
    %scan3A_5 = arith.constant 128 : i32
    %scan3A_6 = arith.addi %scan3A_4, %scan3A_5 : i32
    %scan3A_7 = arith.constant 1 : i32
    scf.for %scan3A_176 = %scan3A_4 to %scan3A_6 step %scan3A_7  : i32 {
      %swap3A = arith.index_cast %scan3A_176 : i32 to index
      %swap3A_177 = arith.constant 0 : index
      %swap3A_178 = tpu.vector_load %arg14[%swap3A, %swap3A_177] {strides = array<i32>} : memref<128x128xf32, #tpu.memory_space<vmem>>, vector<1x16xf32>,
      %swap3A_179 = vector.shape_cast %swap3A_178 : vector<1x16xf32> to vector<16xf32>
      %swap3A_180 = vector.shape_cast %broadcast_in_dim3A_3 : vector<16xf32> to vector<1x16xf32>
      tpu.vector_store %arg14[%swap3A, %swap3A_177], %swap3A_180 {strides = array<i32>} : memref<128x128xf32, #tpu.memory_space<vmem>>, vector<1x16xf32>,
      %swap3A_181 = arith.index_cast %scan3A_176 : i32 to index
      %swap3A_182 = arith.constant 16 : index
      %swap3A_183 = tpu.vector_load %arg14[%swap3A_181, %swap3A_182] {strides = array<i32>} : memref<128x128xf32, #tpu.memory_space<vmem>>, vector<1x16xf32>,
      %swap3A_184 = vector.shape_cast %swap3A_183 : vector<1x16xf32> to vector<16xf32>
      %swap3A_185 = vector.shape_cast %broadcast_in_dim3A_3 : vector<16xf32> to vector<1x16xf32>
      tpu.vector_store %arg14[%swap3A_181, %swap3A_182], %swap3A_185 {strides = array<i32>} : memref<128x128xf32, #tpu.memory_space<vmem>>, vector<1x16xf32>,
      %swap3A_186 = arith.index_cast %scan3A_176 : i32 to index
      %swap3A_187 = arith.constant 32 : index
      %swap3A_188 = tpu.vector_load %arg14[%swap3A_186, %swap3A_187] {strides = array<i32>} : memref<128x128xf32, #tpu.memory_space<vmem>>, vector<1x16xf32>,
      %swap3A_189 = vector.shape_cast %swap3A_188 : vector<1x16xf32> to vector<16xf32>
      %swap3A_190 = vector.shape_cast %broadcast_in_dim3A_3 : vector<16xf32> to vector<1x16xf32>
      tpu.vector_store %arg14[%swap3A_186, %swap3A_187], %swap3A_190 {strides = array<i32>} : memref<128x128xf32, #tpu.memory_space<vmem>>, vector<1x16xf32>,
      %swap3A_191 = arith.index_cast %scan3A_176 : i32 to index
      %swap3A_192 = arith.constant 48 : index
      %swap3A_193 = tpu.vector_load %arg14[%swap3A_191, %swap3A_192] {strides = array<i32>} : memref<128x128xf32, #tpu.memory_space<vmem>>, vector<1x16xf32>,
      %swap3A_194 = vector.shape_cast %swap3A_193 : vector<1x16xf32> to vector<16xf32>
      %swap3A_195 = vector.shape_cast %broadcast_in_dim3A_3 : vector<16xf32> to vector<1x16xf32>
      tpu.vector_store %arg14[%swap3A_191, %swap3A_192], %swap3A_195 {strides = array<i32>} : memref<128x128xf32, #tpu.memory_space<vmem>>, vector<1x16xf32>,
      %swap3A_196 = arith.index_cast %scan3A_176 : i32 to index
      %swap3A_197 = arith.constant 64 : index
      %swap3A_198 = tpu.vector_load %arg14[%swap3A_196, %swap3A_197] {strides = array<i32>} : memref<128x128xf32, #tpu.memory_space<vmem>>, vector<1x16xf32>,
      %swap3A_199 = vector.shape_cast %swap3A_198 : vector<1x16xf32> to vector<16xf32>
      %swap3A_200 = vector.shape_cast %broadcast_in_dim3A_3 : vector<16xf32> to vector<1x16xf32>
      tpu.vector_store %arg14[%swap3A_196, %swap3A_197], %swap3A_200 {strides = array<i32>} : memref<128x128xf32, #tpu.memory_space<vmem>>, vector<1x16xf32>,
      %swap3A_201 = arith.index_cast %scan3A_176 : i32 to index
      %swap3A_202 = arith.constant 80 : index
      %swap3A_203 = tpu.vector_load %arg14[%swap3A_201, %swap3A_202] {strides = array<i32>} : memref<128x128xf32, #tpu.memory_space<vmem>>, vector<1x16xf32>,
      %swap3A_204 = vector.shape_cast %swap3A_203 : vector<1x16xf32> to vector<16xf32>
      %swap3A_205 = vector.shape_cast %broadcast_in_dim3A_3 : vector<16xf32> to vector<1x16xf32>
      tpu.vector_store %arg14[%swap3A_201, %swap3A_202], %swap3A_205 {strides = array<i32>} : memref<128x128xf32, #tpu.memory_space<vmem>>, vector<1x16xf32>,
      %swap3A_206 = arith.index_cast %scan3A_176 : i32 to index
      %swap3A_207 = arith.constant 96 : index
      %swap3A_208 = tpu.vector_load %arg14[%swap3A_206, %swap3A_207] {strides = array<i32>} : memref<128x128xf32, #tpu.memory_space<vmem>>, vector<1x16xf32>,
      %swap3A_209 = vector.shape_cast %swap3A_208 : vector<1x16xf32> to vector<16xf32>
      %swap3A_210 = vector.shape_cast %broadcast_in_dim3A_3 : vector<16xf32> to vector<1x16xf32>
      tpu.vector_store %arg14[%swap3A_206, %swap3A_207], %swap3A_210 {strides = array<i32>} : memref<128x128xf32, #tpu.memory_space<vmem>>, vector<1x16xf32>,
      %swap3A_211 = arith.index_cast %scan3A_176 : i32 to index
      %swap3A_212 = arith.constant 112 : index
      %swap3A_213 = tpu.vector_load %arg14[%swap3A_211, %swap3A_212] {strides = array<i32>} : memref<128x128xf32, #tpu.memory_space<vmem>>, vector<1x16xf32>,
      %swap3A_214 = vector.shape_cast %swap3A_213 : vector<1x16xf32> to vector<16xf32>
      %swap3A_215 = vector.shape_cast %broadcast_in_dim3A_3 : vector<16xf32> to vector<1x16xf32>
      tpu.vector_store %arg14[%swap3A_211, %swap3A_212], %swap3A_215 {strides = array<i32>} : memref<128x128xf32, #tpu.memory_space<vmem>>, vector<1x16xf32>,
    }
    %scan3A_8 = arith.constant 128 : i32
    %mul3A_9 = arith.constant 632 : i32
    %mul3A_10 = arith.muli %arg1, %mul3A_9 : i32
    %mul3A_11 = arith.constant 10000 : i32
    %mul3A_12 = arith.muli %add3A, %mul3A_11 : i32
    %scan3A_13 = arith.constant 0 : i32
    %scan3A_14 = arith.constant 0 : i32
    %scan3A_15 = arith.constant 128 : i32
    %scan3A_16 = arith.addi %scan3A_14, %scan3A_15 : i32
    %scan3A_17 = arith.constant 1 : i32
    scf.for %scan3A_176 = %scan3A_14 to %scan3A_16 step %scan3A_17  : i32 {
      %swap3A = arith.index_cast %scan3A_176 : i32 to index
      %swap3A_177 = arith.constant 0 : index
      %swap3A_178 = tpu.vector_load %arg13[%swap3A, %swap3A_177] {strides = array<i32>} : memref<128x128xf32, #tpu.memory_space<vmem>>, vector<1x16xf32>,
      %swap3A_179 = vector.shape_cast %swap3A_178 : vector<1x16xf32> to vector<16xf32>
      %swap3A_180 = vector.shape_cast %broadcast_in_dim3A_1 : vector<16xf32> to vector<1x16xf32>
      tpu.vector_store %arg13[%swap3A, %swap3A_177], %swap3A_180 {strides = array<i32>} : memref<128x128xf32, #tpu.memory_space<vmem>>, vector<1x16xf32>,
      %swap3A_181 = arith.index_cast %scan3A_176 : i32 to index
      %swap3A_182 = arith.constant 16 : index
      %swap3A_183 = tpu.vector_load %arg13[%swap3A_181, %swap3A_182] {strides = array<i32>} : memref<128x128xf32, #tpu.memory_space<vmem>>, vector<1x16xf32>,
      %swap3A_184 = vector.shape_cast %swap3A_183 : vector<1x16xf32> to vector<16xf32>
      %swap3A_185 = vector.shape_cast %broadcast_in_dim3A_1 : vector<16xf32> to vector<1x16xf32>
      tpu.vector_store %arg13[%swap3A_181, %swap3A_182], %swap3A_185 {strides = array<i32>} : memref<128x128xf32, #tpu.memory_space<vmem>>, vector<1x16xf32>,
      %swap3A_186 = arith.index_cast %scan3A_176 : i32 to index
      %swap3A_187 = arith.constant 32 : index
      %swap3A_188 = tpu.vector_load %arg13[%swap3A_186, %swap3A_187] {strides = array<i32>} : memref<128x128xf32, #tpu.memory_space<vmem>>, vector<1x16xf32>,
      %swap3A_189 = vector.shape_cast %swap3A_188 : vector<1x16xf32> to vector<16xf32>
      %swap3A_190 = vector.shape_cast %broadcast_in_dim3A_1 : vector<16xf32> to vector<1x16xf32>
      tpu.vector_store %arg13[%swap3A_186, %swap3A_187], %swap3A_190 {strides = array<i32>} : memref<128x128xf32, #tpu.memory_space<vmem>>, vector<1x16xf32>,
      %swap3A_191 = arith.index_cast %scan3A_176 : i32 to index
      %swap3A_192 = arith.constant 48 : index
      %swap3A_193 = tpu.vector_load %arg13[%swap3A_191, %swap3A_192] {strides = array<i32>} : memref<128x128xf32, #tpu.memory_space<vmem>>, vector<1x16xf32>,
      %swap3A_194 = vector.shape_cast %swap3A_193 : vector<1x16xf32> to vector<16xf32>
      %swap3A_195 = vector.shape_cast %broadcast_in_dim3A_1 : vector<16xf32> to vector<1x16xf32>
      tpu.vector_store %arg13[%swap3A_191, %swap3A_192], %swap3A_195 {strides = array<i32>} : memref<128x128xf32, #tpu.memory_space<vmem>>, vector<1x16xf32>,
      %swap3A_196 = arith.index_cast %scan3A_176 : i32 to index
      %swap3A_197 = arith.constant 64 : index
      %swap3A_198 = tpu.vector_load %arg13[%swap3A_196, %swap3A_197] {strides = array<i32>} : memref<128x128xf32, #tpu.memory_space<vmem>>, vector<1x16xf32>,
      %swap3A_199 = vector.shape_cast %swap3A_198 : vector<1x16xf32> to vector<16xf32>
      %swap3A_200 = vector.shape_cast %broadcast_in_dim3A_1 : vector<16xf32> to vector<1x16xf32>
      tpu.vector_store %arg13[%swap3A_196, %swap3A_197], %swap3A_200 {strides = array<i32>} : memref<128x128xf32, #tpu.memory_space<vmem>>, vector<1x16xf32>,
      %swap3A_201 = arith.index_cast %scan3A_176 : i32 to index
      %swap3A_202 = arith.constant 80 : index
      %swap3A_203 = tpu.vector_load %arg13[%swap3A_201, %swap3A_202] {strides = array<i32>} : memref<128x128xf32, #tpu.memory_space<vmem>>, vector<1x16xf32>,
      %swap3A_204 = vector.shape_cast %swap3A_203 : vector<1x16xf32> to vector<16xf32>
      %swap3A_205 = vector.shape_cast %broadcast_in_dim3A_1 : vector<16xf32> to vector<1x16xf32>
      tpu.vector_store %arg13[%swap3A_201, %swap3A_202], %swap3A_205 {strides = array<i32>} : memref<128x128xf32, #tpu.memory_space<vmem>>, vector<1x16xf32>,
      %swap3A_206 = arith.index_cast %scan3A_176 : i32 to index
      %swap3A_207 = arith.constant 96 : index
      %swap3A_208 = tpu.vector_load %arg13[%swap3A_206, %swap3A_207] {strides = array<i32>} : memref<128x128xf32, #tpu.memory_space<vmem>>, vector<1x16xf32>,
      %swap3A_209 = vector.shape_cast %swap3A_208 : vector<1x16xf32> to vector<16xf32>
      %swap3A_210 = vector.shape_cast %broadcast_in_dim3A_1 : vector<16xf32> to vector<1x16xf32>
      tpu.vector_store %arg13[%swap3A_206, %swap3A_207], %swap3A_210 {strides = array<i32>} : memref<128x128xf32, #tpu.memory_space<vmem>>, vector<1x16xf32>,
      %swap3A_211 = arith.index_cast %scan3A_176 : i32 to index
      %swap3A_212 = arith.constant 112 : index
      %swap3A_213 = tpu.vector_load %arg13[%swap3A_211, %swap3A_212] {strides = array<i32>} : memref<128x128xf32, #tpu.memory_space<vmem>>, vector<1x16xf32>,
      %swap3A_214 = vector.shape_cast %swap3A_213 : vector<1x16xf32> to vector<16xf32>
      %swap3A_215 = vector.shape_cast %broadcast_in_dim3A_1 : vector<16xf32> to vector<1x16xf32>
      tpu.vector_store %arg13[%swap3A_211, %swap3A_212], %swap3A_215 {strides = array<i32>} : memref<128x128xf32, #tpu.memory_space<vmem>>, vector<1x16xf32>,
    }
    %scan3A_18 = arith.constant 128 : i32
    %add3A_19 = arith.constant 0 : i32
    %add3A_20 = arith.addi %mul3A_10, %add3A_19 : i32
    %multiple_of3A = tpu.assume_multiple %add3A_20, 8 : i32
    "tpu.region"() ({
      %run_scoped3A = tpu.sem_alloc : memref<!tpu.dma_semaphore, #tpu.memory_space<semaphore_mem>>
      %dma_start3A_176 = tpu.memref_slice %arg5[%multiple_of3A] : memref<10112xi32, #tpu.memory_space<hbm>> -> memref<128xi32, #tpu.memory_space<hbm>>
      %dma_start3A_177 = tpu.memref_slice %arg5[%multiple_of3A] : memref<10112xi32, #tpu.memory_space<hbm>> -> memref<128xi32, #tpu.memory_space<hbm>>
      tpu.enqueue_dma source(%dma_start3A_177 : memref<128xi32, #tpu.memory_space<hbm>>) target(%arg10 : memref<128xi32, #tpu.memory_space<vmem>>) target_semaphore(%run_scoped3A : memref<!tpu.dma_semaphore, #tpu.memory_space<semaphore_mem>>)
      %dma_wait3A_178 = tpu.memref_slice %arg5[%multiple_of3A] : memref<10112xi32, #tpu.memory_space<hbm>> -> memref<128xi32, #tpu.memory_space<hbm>>
      %dma_wait3A_179 = tpu.memref_slice %arg5[%multiple_of3A] : memref<10112xi32, #tpu.memory_space<hbm>> -> memref<128xi32, #tpu.memory_space<hbm>>
      tpu.wait_dma2 semaphore(%run_scoped3A : memref<!tpu.dma_semaphore, #tpu.memory_space<semaphore_mem>>) src(%dma_wait3A_179 : memref<128xi32, #tpu.memory_space<hbm>>) dst(%arg10 : memref<128xi32, #tpu.memory_space<vmem>>)
      tpu.yield
    }) : () -> ()
    "tpu.region"() ({
      %run_scoped3A = tpu.sem_alloc : memref<!tpu.dma_semaphore, #tpu.memory_space<semaphore_mem>>
      %dma_start3A_176 = arith.constant 0 : i32
      %dma_start3A_177 = arith.constant 0 : i32
      %dma_start3A_178 = tpu.memref_slice %arg15[%dma_start3A_176, %dma_start3A_177] : memref<10112x128xf32, #tpu.memory_space<vmem_shared>> -> memref<10112x128xf32, #tpu.memory_space<vmem_shared>>
      tpu.enqueue_indirect_dma source(%arg13 : memref<128x128xf32, #tpu.memory_space<vmem>>) target(%dma_start3A_178 : memref<10112x128xf32, #tpu.memory_space<vmem_shared>>) offsets(%arg10 : memref<128xi32, #tpu.memory_space<vmem>>) semaphore(%run_scoped3A : memref<!tpu.dma_semaphore, #tpu.memory_space<semaphore_mem>>)
      %dma_wait3A_179 = arith.constant 0 : i32
      %dma_wait3A_180 = arith.constant 0 : i32
      %dma_wait3A_181 = tpu.memref_slice %arg15[%dma_wait3A_179, %dma_wait3A_180] : memref<10112x128xf32, #tpu.memory_space<vmem_shared>> -> memref<10112x128xf32, #tpu.memory_space<vmem_shared>>
      tpu.wait_indirect_dma semaphore(%run_scoped3A : memref<!tpu.dma_semaphore, #tpu.memory_space<semaphore_mem>>) src(%arg13 : memref<128x128xf32, #tpu.memory_space<vmem>>) dst(%dma_wait3A_181 : memref<10112x128xf32, #tpu.memory_space<vmem_shared>>)
      tpu.yield
    }) : () -> ()
    %add3A_21 = arith.constant 128 : i32
    %add3A_22 = arith.addi %mul3A_10, %add3A_21 : i32
    %multiple_of3A_23 = tpu.assume_multiple %add3A_22, 8 : i32
    "tpu.region"() ({
      %run_scoped3A = tpu.sem_alloc : memref<!tpu.dma_semaphore, #tpu.memory_space<semaphore_mem>>
      %dma_start3A_176 = tpu.memref_slice %arg5[%multiple_of3A_23] : memref<10112xi32, #tpu.memory_space<hbm>> -> memref<128xi32, #tpu.memory_space<hbm>>
      %dma_start3A_177 = tpu.memref_slice %arg5[%multiple_of3A_23] : memref<10112xi32, #tpu.memory_space<hbm>> -> memref<128xi32, #tpu.memory_space<hbm>>
      tpu.enqueue_dma source(%dma_start3A_177 : memref<128xi32, #tpu.memory_space<hbm>>) target(%arg10 : memref<128xi32, #tpu.memory_space<vmem>>) target_semaphore(%run_scoped3A : memref<!tpu.dma_semaphore, #tpu.memory_space<semaphore_mem>>)
      %dma_wait3A_178 = tpu.memref_slice %arg5[%multiple_of3A_23] : memref<10112xi32, #tpu.memory_space<hbm>> -> memref<128xi32, #tpu.memory_space<hbm>>
      %dma_wait3A_179 = tpu.memref_slice %arg5[%multiple_of3A_23] : memref<10112xi32, #tpu.memory_space<hbm>> -> memref<128xi32, #tpu.memory_space<hbm>>
      tpu.wait_dma2 semaphore(%run_scoped3A : memref<!tpu.dma_semaphore, #tpu.memory_space<semaphore_mem>>) src(%dma_wait3A_179 : memref<128xi32, #tpu.memory_space<hbm>>) dst(%arg10 : memref<128xi32, #tpu.memory_space<vmem>>)
      tpu.yield
    }) : () -> ()
    "tpu.region"() ({
      %run_scoped3A = tpu.sem_alloc : memref<!tpu.dma_semaphore, #tpu.memory_space<semaphore_mem>>
      %dma_start3A_176 = arith.constant 0 : i32
      %dma_start3A_177 = arith.constant 0 : i32
      %dma_start3A_178 = tpu.memref_slice %arg15[%dma_start3A_176, %dma_start3A_177] : memref<10112x128xf32, #tpu.memory_space<vmem_shared>> -> memref<10112x128xf32, #tpu.memory_space<vmem_shared>>
      tpu.enqueue_indirect_dma source(%arg13 : memref<128x128xf32, #tpu.memory_space<vmem>>) target(%dma_start3A_178 : memref<10112x128xf32, #tpu.memory_space<vmem_shared>>) offsets(%arg10 : memref<128xi32, #tpu.memory_space<vmem>>) semaphore(%run_scoped3A : memref<!tpu.dma_semaphore, #tpu.memory_space<semaphore_mem>>)
      %dma_wait3A_179 = arith.constant 0 : i32
      %dma_wait3A_180 = arith.constant 0 : i32
      %dma_wait3A_181 = tpu.memref_slice %arg15[%dma_wait3A_179, %dma_wait3A_180] : memref<10112x128xf32, #tpu.memory_space<vmem_shared>> -> memref<10112x128xf32, #tpu.memory_space<vmem_shared>>
      tpu.wait_indirect_dma semaphore(%run_scoped3A : memref<!tpu.dma_semaphore, #tpu.memory_space<semaphore_mem>>) src(%arg13 : memref<128x128xf32, #tpu.memory_space<vmem>>) dst(%dma_wait3A_181 : memref<10112x128xf32, #tpu.memory_space<vmem_shared>>)
      tpu.yield
    }) : () -> ()
    %add3A_24 = arith.constant 256 : i32
    %add3A_25 = arith.addi %mul3A_10, %add3A_24 : i32
    %multiple_of3A_26 = tpu.assume_multiple %add3A_25, 8 : i32
    "tpu.region"() ({
      %run_scoped3A = tpu.sem_alloc : memref<!tpu.dma_semaphore, #tpu.memory_space<semaphore_mem>>
      %dma_start3A_176 = tpu.memref_slice %arg5[%multiple_of3A_26] : memref<10112xi32, #tpu.memory_space<hbm>> -> memref<128xi32, #tpu.memory_space<hbm>>
      %dma_start3A_177 = tpu.memref_slice %arg5[%multiple_of3A_26] : memref<10112xi32, #tpu.memory_space<hbm>> -> memref<128xi32, #tpu.memory_space<hbm>>
      tpu.enqueue_dma source(%dma_start3A_177 : memref<128xi32, #tpu.memory_space<hbm>>) target(%arg10 : memref<128xi32, #tpu.memory_space<vmem>>) target_semaphore(%run_scoped3A : memref<!tpu.dma_semaphore, #tpu.memory_space<semaphore_mem>>)
      %dma_wait3A_178 = tpu.memref_slice %arg5[%multiple_of3A_26] : memref<10112xi32, #tpu.memory_space<hbm>> -> memref<128xi32, #tpu.memory_space<hbm>>
      %dma_wait3A_179 = tpu.memref_slice %arg5[%multiple_of3A_26] : memref<10112xi32, #tpu.memory_space<hbm>> -> memref<128xi32, #tpu.memory_space<hbm>>
      tpu.wait_dma2 semaphore(%run_scoped3A : memref<!tpu.dma_semaphore, #tpu.memory_space<semaphore_mem>>) src(%dma_wait3A_179 : memref<128xi32, #tpu.memory_space<hbm>>) dst(%arg10 : memref<128xi32, #tpu.memory_space<vmem>>)
      tpu.yield
    }) : () -> ()
    "tpu.region"() ({
      %run_scoped3A = tpu.sem_alloc : memref<!tpu.dma_semaphore, #tpu.memory_space<semaphore_mem>>
      %dma_start3A_176 = arith.constant 0 : i32
      %dma_start3A_177 = arith.constant 0 : i32
      %dma_start3A_178 = tpu.memref_slice %arg15[%dma_start3A_176, %dma_start3A_177] : memref<10112x128xf32, #tpu.memory_space<vmem_shared>> -> memref<10112x128xf32, #tpu.memory_space<vmem_shared>>
      tpu.enqueue_indirect_dma source(%arg13 : memref<128x128xf32, #tpu.memory_space<vmem>>) target(%dma_start3A_178 : memref<10112x128xf32, #tpu.memory_space<vmem_shared>>) offsets(%arg10 : memref<128xi32, #tpu.memory_space<vmem>>) semaphore(%run_scoped3A : memref<!tpu.dma_semaphore, #tpu.memory_space<semaphore_mem>>)
      %dma_wait3A_179 = arith.constant 0 : i32
      %dma_wait3A_180 = arith.constant 0 : i32
      %dma_wait3A_181 = tpu.memref_slice %arg15[%dma_wait3A_179, %dma_wait3A_180] : memref<10112x128xf32, #tpu.memory_space<vmem_shared>> -> memref<10112x128xf32, #tpu.memory_space<vmem_shared>>
      tpu.wait_indirect_dma semaphore(%run_scoped3A : memref<!tpu.dma_semaphore, #tpu.memory_space<semaphore_mem>>) src(%arg13 : memref<128x128xf32, #tpu.memory_space<vmem>>) dst(%dma_wait3A_181 : memref<10112x128xf32, #tpu.memory_space<vmem_shared>>)
      tpu.yield
    }) : () -> ()
    %add3A_27 = arith.constant 384 : i32
    %add3A_28 = arith.addi %mul3A_10, %add3A_27 : i32
    %multiple_of3A_29 = tpu.assume_multiple %add3A_28, 8 : i32
    "tpu.region"() ({
      %run_scoped3A = tpu.sem_alloc : memref<!tpu.dma_semaphore, #tpu.memory_space<semaphore_mem>>
      %dma_start3A_176 = tpu.memref_slice %arg5[%multiple_of3A_29] : memref<10112xi32, #tpu.memory_space<hbm>> -> memref<128xi32, #tpu.memory_space<hbm>>
      %dma_start3A_177 = tpu.memref_slice %arg5[%multiple_of3A_29] : memref<10112xi32, #tpu.memory_space<hbm>> -> memref<128xi32, #tpu.memory_space<hbm>>
      tpu.enqueue_dma source(%dma_start3A_177 : memref<128xi32, #tpu.memory_space<hbm>>) target(%arg10 : memref<128xi32, #tpu.memory_space<vmem>>) target_semaphore(%run_scoped3A : memref<!tpu.dma_semaphore, #tpu.memory_space<semaphore_mem>>)
      %dma_wait3A_178 = tpu.memref_slice %arg5[%multiple_of3A_29] : memref<10112xi32, #tpu.memory_space<hbm>> -> memref<128xi32, #tpu.memory_space<hbm>>
      %dma_wait3A_179 = tpu.memref_slice %arg5[%multiple_of3A_29] : memref<10112xi32, #tpu.memory_space<hbm>> -> memref<128xi32, #tpu.memory_space<hbm>>
      tpu.wait_dma2 semaphore(%run_scoped3A : memref<!tpu.dma_semaphore, #tpu.memory_space<semaphore_mem>>) src(%dma_wait3A_179 : memref<128xi32, #tpu.memory_space<hbm>>) dst(%arg10 : memref<128xi32, #tpu.memory_space<vmem>>)
      tpu.yield
    }) : () -> ()
    "tpu.region"() ({
      %run_scoped3A = tpu.sem_alloc : memref<!tpu.dma_semaphore, #tpu.memory_space<semaphore_mem>>
      %dma_start3A_176 = arith.constant 0 : i32
      %dma_start3A_177 = arith.constant 0 : i32
      %dma_start3A_178 = tpu.memref_slice %arg15[%dma_start3A_176, %dma_start3A_177] : memref<10112x128xf32, #tpu.memory_space<vmem_shared>> -> memref<10112x128xf32, #tpu.memory_space<vmem_shared>>
      tpu.enqueue_indirect_dma source(%arg13 : memref<128x128xf32, #tpu.memory_space<vmem>>) target(%dma_start3A_178 : memref<10112x128xf32, #tpu.memory_space<vmem_shared>>) offsets(%arg10 : memref<128xi32, #tpu.memory_space<vmem>>) semaphore(%run_scoped3A : memref<!tpu.dma_semaphore, #tpu.memory_space<semaphore_mem>>)
      %dma_wait3A_179 = arith.constant 0 : i32
      %dma_wait3A_180 = arith.constant 0 : i32
      %dma_wait3A_181 = tpu.memref_slice %arg15[%dma_wait3A_179, %dma_wait3A_180] : memref<10112x128xf32, #tpu.memory_space<vmem_shared>> -> memref<10112x128xf32, #tpu.memory_space<vmem_shared>>
      tpu.wait_indirect_dma semaphore(%run_scoped3A : memref<!tpu.dma_semaphore, #tpu.memory_space<semaphore_mem>>) src(%arg13 : memref<128x128xf32, #tpu.memory_space<vmem>>) dst(%dma_wait3A_181 : memref<10112x128xf32, #tpu.memory_space<vmem_shared>>)
      tpu.yield
    }) : () -> ()
    %add3A_30 = arith.constant 504 : i32
    %add3A_31 = arith.addi %mul3A_10, %add3A_30 : i32
    %multiple_of3A_32 = tpu.assume_multiple %add3A_31, 8 : i32
    "tpu.region"() ({
      %run_scoped3A = tpu.sem_alloc : memref<!tpu.dma_semaphore, #tpu.memory_space<semaphore_mem>>
      %dma_start3A_176 = tpu.memref_slice %arg5[%multiple_of3A_32] : memref<10112xi32, #tpu.memory_space<hbm>> -> memref<128xi32, #tpu.memory_space<hbm>>
      %dma_start3A_177 = tpu.memref_slice %arg5[%multiple_of3A_32] : memref<10112xi32, #tpu.memory_space<hbm>> -> memref<128xi32, #tpu.memory_space<hbm>>
      tpu.enqueue_dma source(%dma_start3A_177 : memref<128xi32, #tpu.memory_space<hbm>>) target(%arg10 : memref<128xi32, #tpu.memory_space<vmem>>) target_semaphore(%run_scoped3A : memref<!tpu.dma_semaphore, #tpu.memory_space<semaphore_mem>>)
      %dma_wait3A_178 = tpu.memref_slice %arg5[%multiple_of3A_32] : memref<10112xi32, #tpu.memory_space<hbm>> -> memref<128xi32, #tpu.memory_space<hbm>>
      %dma_wait3A_179 = tpu.memref_slice %arg5[%multiple_of3A_32] : memref<10112xi32, #tpu.memory_space<hbm>> -> memref<128xi32, #tpu.memory_space<hbm>>
      tpu.wait_dma2 semaphore(%run_scoped3A : memref<!tpu.dma_semaphore, #tpu.memory_space<semaphore_mem>>) src(%dma_wait3A_179 : memref<128xi32, #tpu.memory_space<hbm>>) dst(%arg10 : memref<128xi32, #tpu.memory_space<vmem>>)
      tpu.yield
    }) : () -> ()
    "tpu.region"() ({
      %run_scoped3A = tpu.sem_alloc : memref<!tpu.dma_semaphore, #tpu.memory_space<semaphore_mem>>
      %dma_start3A_176 = arith.constant 0 : i32
      %dma_start3A_177 = arith.constant 0 : i32
      %dma_start3A_178 = tpu.memref_slice %arg15[%dma_start3A_176, %dma_start3A_177] : memref<10112x128xf32, #tpu.memory_space<vmem_shared>> -> memref<10112x128xf32, #tpu.memory_space<vmem_shared>>
      tpu.enqueue_indirect_dma source(%arg13 : memref<128x128xf32, #tpu.memory_space<vmem>>) target(%dma_start3A_178 : memref<10112x128xf32, #tpu.memory_space<vmem_shared>>) offsets(%arg10 : memref<128xi32, #tpu.memory_space<vmem>>) semaphore(%run_scoped3A : memref<!tpu.dma_semaphore, #tpu.memory_space<semaphore_mem>>)
      %dma_wait3A_179 = arith.constant 0 : i32
      %dma_wait3A_180 = arith.constant 0 : i32
      %dma_wait3A_181 = tpu.memref_slice %arg15[%dma_wait3A_179, %dma_wait3A_180] : memref<10112x128xf32, #tpu.memory_space<vmem_shared>> -> memref<10112x128xf32, #tpu.memory_space<vmem_shared>>
      tpu.wait_indirect_dma semaphore(%run_scoped3A : memref<!tpu.dma_semaphore, #tpu.memory_space<semaphore_mem>>) src(%arg13 : memref<128x128xf32, #tpu.memory_space<vmem>>) dst(%dma_wait3A_181 : memref<10112x128xf32, #tpu.memory_space<vmem_shared>>)
      tpu.yield
    }) : () -> ()
    %barrier3A = arith.constant 0 : index
    tpu.barrier barrier_id(%barrier3A)
    %scan3A_33 = arith.constant 0 : i32
    %scan3A_34 = arith.constant 0 : i32
    %scan3A_35 = arith.constant 78 : i32
    %scan3A_36 = arith.addi %scan3A_34, %scan3A_35 : i32
    %scan3A_37 = arith.constant 1 : i32
    scf.for %scan3A_176 = %scan3A_34 to %scan3A_36 step %scan3A_37  : i32 {
      %mul3A_177 = arith.constant 128 : i32
      %mul3A_178 = arith.muli %scan3A_176, %mul3A_177 : i32
      %add3A_179 = arith.addi %mul3A_12, %mul3A_178 : i32
      %multiple_of3A_180 = tpu.assume_multiple %add3A_179, 8 : i32
      "tpu.region"() ({
        %run_scoped3A = tpu.sem_alloc : memref<!tpu.dma_semaphore, #tpu.memory_space<semaphore_mem>>
        %dma_start3A_187 = tpu.memref_slice %arg2[%multiple_of3A_180] : memref<320000xi32, #tpu.memory_space<hbm>> -> memref<128xi32, #tpu.memory_space<hbm>>
        %dma_start3A_188 = tpu.memref_slice %arg2[%multiple_of3A_180] : memref<320000xi32, #tpu.memory_space<hbm>> -> memref<128xi32, #tpu.memory_space<hbm>>
        tpu.enqueue_dma source(%dma_start3A_188 : memref<128xi32, #tpu.memory_space<hbm>>) target(%arg8 : memref<128xi32, #tpu.memory_space<vmem>>) target_semaphore(%run_scoped3A : memref<!tpu.dma_semaphore, #tpu.memory_space<semaphore_mem>>)
        %dma_wait3A_189 = tpu.memref_slice %arg2[%multiple_of3A_180] : memref<320000xi32, #tpu.memory_space<hbm>> -> memref<128xi32, #tpu.memory_space<hbm>>
        %dma_wait3A_190 = tpu.memref_slice %arg2[%multiple_of3A_180] : memref<320000xi32, #tpu.memory_space<hbm>> -> memref<128xi32, #tpu.memory_space<hbm>>
        tpu.wait_dma2 semaphore(%run_scoped3A : memref<!tpu.dma_semaphore, #tpu.memory_space<semaphore_mem>>) src(%dma_wait3A_190 : memref<128xi32, #tpu.memory_space<hbm>>) dst(%arg8 : memref<128xi32, #tpu.memory_space<vmem>>)
        tpu.yield
      }) : () -> ()
      "tpu.region"() ({
        %run_scoped3A = tpu.sem_alloc : memref<!tpu.dma_semaphore, #tpu.memory_space<semaphore_mem>>
        %dma_start3A_187 = tpu.memref_slice %arg3[%multiple_of3A_180] : memref<320000xi32, #tpu.memory_space<hbm>> -> memref<128xi32, #tpu.memory_space<hbm>>
        %dma_start3A_188 = tpu.memref_slice %arg3[%multiple_of3A_180] : memref<320000xi32, #tpu.memory_space<hbm>> -> memref<128xi32, #tpu.memory_space<hbm>>
        tpu.enqueue_dma source(%dma_start3A_188 : memref<128xi32, #tpu.memory_space<hbm>>) target(%arg9 : memref<128xi32, #tpu.memory_space<vmem>>) target_semaphore(%run_scoped3A : memref<!tpu.dma_semaphore, #tpu.memory_space<semaphore_mem>>)
        %dma_wait3A_189 = tpu.memref_slice %arg3[%multiple_of3A_180] : memref<320000xi32, #tpu.memory_space<hbm>> -> memref<128xi32, #tpu.memory_space<hbm>>
        %dma_wait3A_190 = tpu.memref_slice %arg3[%multiple_of3A_180] : memref<320000xi32, #tpu.memory_space<hbm>> -> memref<128xi32, #tpu.memory_space<hbm>>
        tpu.wait_dma2 semaphore(%run_scoped3A : memref<!tpu.dma_semaphore, #tpu.memory_space<semaphore_mem>>) src(%dma_wait3A_190 : memref<128xi32, #tpu.memory_space<hbm>>) dst(%arg9 : memref<128xi32, #tpu.memory_space<vmem>>)
        tpu.yield
      }) : () -> ()
      %dma_start3A_181 = arith.constant 0 : i32
      %dma_start3A_182 = arith.constant 0 : i32
      %dma_start3A_183 = tpu.memref_slice %arg4[%dma_start3A_181, %dma_start3A_182] : memref<10000x128xf32, #tpu.memory_space<hbm>> -> memref<10000x128xf32, #tpu.memory_space<hbm>>
      tpu.enqueue_indirect_dma source(%dma_start3A_183 : memref<10000x128xf32, #tpu.memory_space<hbm>>) target(%arg13 : memref<128x128xf32, #tpu.memory_space<vmem>>) offsets(%arg9 : memref<128xi32, #tpu.memory_space<vmem>>) semaphore(%arg16 : memref<!tpu.dma_semaphore, #tpu.memory_space<semaphore_mem>>)
      %dma_wait3A_184 = arith.constant 0 : i32
      %dma_wait3A_185 = arith.constant 0 : i32
      %dma_wait3A_186 = tpu.memref_slice %arg4[%dma_wait3A_184, %dma_wait3A_185] : memref<10000x128xf32, #tpu.memory_space<hbm>> -> memref<10000x128xf32, #tpu.memory_space<hbm>>
      tpu.wait_indirect_dma semaphore(%arg16 : memref<!tpu.dma_semaphore, #tpu.memory_space<semaphore_mem>>) src(%dma_wait3A_186 : memref<10000x128xf32, #tpu.memory_space<hbm>>) dst(%arg13 : memref<128x128xf32, #tpu.memory_space<vmem>>)
      "tpu.region"() ({
        %run_scoped3A = tpu.sem_alloc : memref<!tpu.dma_semaphore, #tpu.memory_space<semaphore_mem>>
        %dma_start3A_187 = arith.constant 0 : i32
        %dma_start3A_188 = arith.constant 0 : i32
        %dma_start3A_189 = tpu.memref_slice %arg15[%dma_start3A_187, %dma_start3A_188] : memref<10112x128xf32, #tpu.memory_space<vmem_shared>> -> memref<10112x128xf32, #tpu.memory_space<vmem_shared>>
        tpu.enqueue_indirect_dma source(%arg13 : memref<128x128xf32, #tpu.memory_space<vmem>>) target(%dma_start3A_189 : memref<10112x128xf32, #tpu.memory_space<vmem_shared>>) offsets(%arg8 : memref<128xi32, #tpu.memory_space<vmem>>) semaphore(%run_scoped3A : memref<!tpu.dma_semaphore, #tpu.memory_space<semaphore_mem>>) {add = true}
        %dma_wait3A_190 = arith.constant 0 : i32
        %dma_wait3A_191 = arith.constant 0 : i32
        %dma_wait3A_192 = tpu.memref_slice %arg15[%dma_wait3A_190, %dma_wait3A_191] : memref<10112x128xf32, #tpu.memory_space<vmem_shared>> -> memref<10112x128xf32, #tpu.memory_space<vmem_shared>>
        tpu.wait_indirect_dma semaphore(%run_scoped3A : memref<!tpu.dma_semaphore, #tpu.memory_space<semaphore_mem>>) src(%arg13 : memref<128x128xf32, #tpu.memory_space<vmem>>) dst(%dma_wait3A_192 : memref<10112x128xf32, #tpu.memory_space<vmem_shared>>)
        tpu.yield
      }) : () -> ()
    }
    %scan3A_38 = arith.constant 78 : i32
    %add3A_39 = arith.constant 9984 : i32
    %add3A_40 = arith.addi %mul3A_12, %add3A_39 : i32
    %multiple_of3A_41 = tpu.assume_multiple %add3A_40, 8 : i32
    "tpu.region"() ({
      %run_scoped3A = tpu.sem_alloc : memref<!tpu.dma_semaphore, #tpu.memory_space<semaphore_mem>>
      %dma_start3A_176 = tpu.memref_slice %arg2[%multiple_of3A_41] : memref<320000xi32, #tpu.memory_space<hbm>> -> memref<16xi32, #tpu.memory_space<hbm>>
      %dma_start3A_177 = tpu.memref_slice %arg2[%multiple_of3A_41] : memref<320000xi32, #tpu.memory_space<hbm>> -> memref<16xi32, #tpu.memory_space<hbm>>
      tpu.enqueue_dma source(%dma_start3A_177 : memref<16xi32, #tpu.memory_space<hbm>>) target(%arg11 : memref<16xi32, #tpu.memory_space<vmem>>) target_semaphore(%run_scoped3A : memref<!tpu.dma_semaphore, #tpu.memory_space<semaphore_mem>>)
      %dma_wait3A_178 = tpu.memref_slice %arg2[%multiple_of3A_41] : memref<320000xi32, #tpu.memory_space<hbm>> -> memref<16xi32, #tpu.memory_space<hbm>>
      %dma_wait3A_179 = tpu.memref_slice %arg2[%multiple_of3A_41] : memref<320000xi32, #tpu.memory_space<hbm>> -> memref<16xi32, #tpu.memory_space<hbm>>
      tpu.wait_dma2 semaphore(%run_scoped3A : memref<!tpu.dma_semaphore, #tpu.memory_space<semaphore_mem>>) src(%dma_wait3A_179 : memref<16xi32, #tpu.memory_space<hbm>>) dst(%arg11 : memref<16xi32, #tpu.memory_space<vmem>>)
      tpu.yield
    }) : () -> ()
    "tpu.region"() ({
      %run_scoped3A = tpu.sem_alloc : memref<!tpu.dma_semaphore, #tpu.memory_space<semaphore_mem>>
      %dma_start3A_176 = tpu.memref_slice %arg3[%multiple_of3A_41] : memref<320000xi32, #tpu.memory_space<hbm>> -> memref<16xi32, #tpu.memory_space<hbm>>
      %dma_start3A_177 = tpu.memref_slice %arg3[%multiple_of3A_41] : memref<320000xi32, #tpu.memory_space<hbm>> -> memref<16xi32, #tpu.memory_space<hbm>>
      tpu.enqueue_dma source(%dma_start3A_177 : memref<16xi32, #tpu.memory_space<hbm>>) target(%arg12 : memref<16xi32, #tpu.memory_space<vmem>>) target_semaphore(%run_scoped3A : memref<!tpu.dma_semaphore, #tpu.memory_space<semaphore_mem>>)
      %dma_wait3A_178 = tpu.memref_slice %arg3[%multiple_of3A_41] : memref<320000xi32, #tpu.memory_space<hbm>> -> memref<16xi32, #tpu.memory_space<hbm>>
      %dma_wait3A_179 = tpu.memref_slice %arg3[%multiple_of3A_41] : memref<320000xi32, #tpu.memory_space<hbm>> -> memref<16xi32, #tpu.memory_space<hbm>>
      tpu.wait_dma2 semaphore(%run_scoped3A : memref<!tpu.dma_semaphore, #tpu.memory_space<semaphore_mem>>) src(%dma_wait3A_179 : memref<16xi32, #tpu.memory_space<hbm>>) dst(%arg12 : memref<16xi32, #tpu.memory_space<vmem>>)
      tpu.yield
    }) : () -> ()
    %dma_start3A = arith.constant 0 : i32
    %dma_start3A_42 = arith.constant 0 : i32
    %dma_start3A_43 = tpu.memref_slice %arg13[%dma_start3A, %dma_start3A_42] : memref<128x128xf32, #tpu.memory_space<vmem>> -> memref<16x128xf32, #tpu.memory_space<vmem>>
    %dma_start3A_44 = arith.constant 0 : i32
    %dma_start3A_45 = arith.constant 0 : i32
    %dma_start3A_46 = tpu.memref_slice %arg4[%dma_start3A_44, %dma_start3A_45] : memref<10000x128xf32, #tpu.memory_space<hbm>> -> memref<10000x128xf32, #tpu.memory_space<hbm>>
    tpu.enqueue_indirect_dma source(%dma_start3A_46 : memref<10000x128xf32, #tpu.memory_space<hbm>>) target(%dma_start3A_43 : memref<16x128xf32, #tpu.memory_space<vmem>>) offsets(%arg12 : memref<16xi32, #tpu.memory_space<vmem>>) semaphore(%arg16 : memref<!tpu.dma_semaphore, #tpu.memory_space<semaphore_mem>>)
    %dma_wait3A = arith.constant 0 : i32
    %dma_wait3A_47 = arith.constant 0 : i32
    %dma_wait3A_48 = tpu.memref_slice %arg13[%dma_wait3A, %dma_wait3A_47] : memref<128x128xf32, #tpu.memory_space<vmem>> -> memref<16x128xf32, #tpu.memory_space<vmem>>
    %dma_wait3A_49 = arith.constant 0 : i32
    %dma_wait3A_50 = arith.constant 0 : i32
    %dma_wait3A_51 = tpu.memref_slice %arg4[%dma_wait3A_49, %dma_wait3A_50] : memref<10000x128xf32, #tpu.memory_space<hbm>> -> memref<10000x128xf32, #tpu.memory_space<hbm>>
    tpu.wait_indirect_dma semaphore(%arg16 : memref<!tpu.dma_semaphore, #tpu.memory_space<semaphore_mem>>) src(%dma_wait3A_51 : memref<10000x128xf32, #tpu.memory_space<hbm>>) dst(%dma_wait3A_48 : memref<16x128xf32, #tpu.memory_space<vmem>>)
    "tpu.region"() ({
      %run_scoped3A = tpu.sem_alloc : memref<!tpu.dma_semaphore, #tpu.memory_space<semaphore_mem>>
      %dma_start3A_176 = arith.constant 0 : i32
      %dma_start3A_177 = arith.constant 0 : i32
      %dma_start3A_178 = tpu.memref_slice %arg13[%dma_start3A_176, %dma_start3A_177] : memref<128x128xf32, #tpu.memory_space<vmem>> -> memref<16x128xf32, #tpu.memory_space<vmem>>
      %dma_start3A_179 = arith.constant 0 : i32
      %dma_start3A_180 = arith.constant 0 : i32
      %dma_start3A_181 = tpu.memref_slice %arg15[%dma_start3A_179, %dma_start3A_180] : memref<10112x128xf32, #tpu.memory_space<vmem_shared>> -> memref<10112x128xf32, #tpu.memory_space<vmem_shared>>
      tpu.enqueue_indirect_dma source(%dma_start3A_178 : memref<16x128xf32, #tpu.memory_space<vmem>>) target(%dma_start3A_181 : memref<10112x128xf32, #tpu.memory_space<vmem_shared>>) offsets(%arg11 : memref<16xi32, #tpu.memory_space<vmem>>) semaphore(%run_scoped3A : memref<!tpu.dma_semaphore, #tpu.memory_space<semaphore_mem>>) {add = true}
      %dma_wait3A_182 = arith.constant 0 : i32
      %dma_wait3A_183 = arith.constant 0 : i32
      %dma_wait3A_184 = tpu.memref_slice %arg13[%dma_wait3A_182, %dma_wait3A_183] : memref<128x128xf32, #tpu.memory_space<vmem>> -> memref<16x128xf32, #tpu.memory_space<vmem>>
      %dma_wait3A_185 = arith.constant 0 : i32
      %dma_wait3A_186 = arith.constant 0 : i32
      %dma_wait3A_187 = tpu.memref_slice %arg15[%dma_wait3A_185, %dma_wait3A_186] : memref<10112x128xf32, #tpu.memory_space<vmem_shared>> -> memref<10112x128xf32, #tpu.memory_space<vmem_shared>>
      tpu.wait_indirect_dma semaphore(%run_scoped3A : memref<!tpu.dma_semaphore, #tpu.memory_space<semaphore_mem>>) src(%dma_wait3A_184 : memref<16x128xf32, #tpu.memory_space<vmem>>) dst(%dma_wait3A_187 : memref<10112x128xf32, #tpu.memory_space<vmem_shared>>)
      tpu.yield
    }) : () -> ()
    %barrier3A_52 = arith.constant 0 : index
    tpu.barrier barrier_id(%barrier3A_52)
    %add3A_53 = arith.constant 0 : i32
    %add3A_54 = arith.addi %mul3A_10, %add3A_53 : i32
    %multiple_of3A_55 = tpu.assume_multiple %add3A_54, 8 : i32
    "tpu.region"() ({
      %run_scoped3A = tpu.sem_alloc : memref<!tpu.dma_semaphore, #tpu.memory_space<semaphore_mem>>
      %dma_start3A_176 = tpu.memref_slice %arg5[%multiple_of3A_55] : memref<10112xi32, #tpu.memory_space<hbm>> -> memref<128xi32, #tpu.memory_space<hbm>>
      %dma_start3A_177 = tpu.memref_slice %arg5[%multiple_of3A_55] : memref<10112xi32, #tpu.memory_space<hbm>> -> memref<128xi32, #tpu.memory_space<hbm>>
      tpu.enqueue_dma source(%dma_start3A_177 : memref<128xi32, #tpu.memory_space<hbm>>) target(%arg10 : memref<128xi32, #tpu.memory_space<vmem>>) target_semaphore(%run_scoped3A : memref<!tpu.dma_semaphore, #tpu.memory_space<semaphore_mem>>)
      %dma_wait3A_178 = tpu.memref_slice %arg5[%multiple_of3A_55] : memref<10112xi32, #tpu.memory_space<hbm>> -> memref<128xi32, #tpu.memory_space<hbm>>
      %dma_wait3A_179 = tpu.memref_slice %arg5[%multiple_of3A_55] : memref<10112xi32, #tpu.memory_space<hbm>> -> memref<128xi32, #tpu.memory_space<hbm>>
      tpu.wait_dma2 semaphore(%run_scoped3A : memref<!tpu.dma_semaphore, #tpu.memory_space<semaphore_mem>>) src(%dma_wait3A_179 : memref<128xi32, #tpu.memory_space<hbm>>) dst(%arg10 : memref<128xi32, #tpu.memory_space<vmem>>)
      tpu.yield
    }) : () -> ()
    %dma_start3A_56 = arith.constant 0 : i32
    %dma_start3A_57 = arith.constant 0 : i32
    %dma_start3A_58 = tpu.memref_slice %arg15[%dma_start3A_56, %dma_start3A_57] : memref<10112x128xf32, #tpu.memory_space<vmem_shared>> -> memref<10112x128xf32, #tpu.memory_space<vmem_shared>>
    tpu.enqueue_indirect_dma source(%dma_start3A_58 : memref<10112x128xf32, #tpu.memory_space<vmem_shared>>) target(%arg13 : memref<128x128xf32, #tpu.memory_space<vmem>>) offsets(%arg10 : memref<128xi32, #tpu.memory_space<vmem>>) semaphore(%arg16 : memref<!tpu.dma_semaphore, #tpu.memory_space<semaphore_mem>>)
    %dma_wait3A_59 = arith.constant 0 : i32
    %dma_wait3A_60 = arith.constant 0 : i32
    %dma_wait3A_61 = tpu.memref_slice %arg15[%dma_wait3A_59, %dma_wait3A_60] : memref<10112x128xf32, #tpu.memory_space<vmem_shared>> -> memref<10112x128xf32, #tpu.memory_space<vmem_shared>>
    tpu.wait_indirect_dma semaphore(%arg16 : memref<!tpu.dma_semaphore, #tpu.memory_space<semaphore_mem>>) src(%dma_wait3A_61 : memref<10112x128xf32, #tpu.memory_space<vmem_shared>>) dst(%arg13 : memref<128x128xf32, #tpu.memory_space<vmem>>)
    "tpu.region"() ({
      %run_scoped3A = tpu.sem_alloc : memref<!tpu.dma_semaphore, #tpu.memory_space<semaphore_mem>>
      %dma_start3A_176 = arith.constant 0 : i32
      %dma_start3A_177 = tpu.memref_slice %arg6[%arg0, %multiple_of3A_55, %dma_start3A_176] : memref<2x10112x128xf32, #tpu.memory_space<hbm>> -> memref<1x128x128xf32, #tpu.memory_space<hbm>>
      %dma_start3A_178 = tpu.memref_squeeze %dma_start3A_177 : memref<1x128x128xf32, #tpu.memory_space<hbm>> -> memref<128x128xf32, #tpu.memory_space<hbm>>
      %dma_start3A_179 = arith.constant 0 : i32
      %dma_start3A_180 = tpu.memref_slice %arg6[%arg0, %multiple_of3A_55, %dma_start3A_179] : memref<2x10112x128xf32, #tpu.memory_space<hbm>> -> memref<1x128x128xf32, #tpu.memory_space<hbm>>
      %dma_start3A_181 = tpu.memref_squeeze %dma_start3A_180 : memref<1x128x128xf32, #tpu.memory_space<hbm>> -> memref<128x128xf32, #tpu.memory_space<hbm>>
      tpu.enqueue_dma source(%arg13 : memref<128x128xf32, #tpu.memory_space<vmem>>) target(%dma_start3A_181 : memref<128x128xf32, #tpu.memory_space<hbm>>) target_semaphore(%run_scoped3A : memref<!tpu.dma_semaphore, #tpu.memory_space<semaphore_mem>>)
      %dma_wait3A_182 = arith.constant 0 : i32
      %dma_wait3A_183 = tpu.memref_slice %arg6[%arg0, %multiple_of3A_55, %dma_wait3A_182] : memref<2x10112x128xf32, #tpu.memory_space<hbm>> -> memref<1x128x128xf32, #tpu.memory_space<hbm>>
      %dma_wait3A_184 = tpu.memref_squeeze %dma_wait3A_183 : memref<1x128x128xf32, #tpu.memory_space<hbm>> -> memref<128x128xf32, #tpu.memory_space<hbm>>
      %dma_wait3A_185 = arith.constant 0 : i32
      %dma_wait3A_186 = tpu.memref_slice %arg6[%arg0, %multiple_of3A_55, %dma_wait3A_185] : memref<2x10112x128xf32, #tpu.memory_space<hbm>> -> memref<1x128x128xf32, #tpu.memory_space<hbm>>
      %dma_wait3A_187 = tpu.memref_squeeze %dma_wait3A_186 : memref<1x128x128xf32, #tpu.memory_space<hbm>> -> memref<128x128xf32, #tpu.memory_space<hbm>>
      tpu.wait_dma2 semaphore(%run_scoped3A : memref<!tpu.dma_semaphore, #tpu.memory_space<semaphore_mem>>) src(%arg13 : memref<128x128xf32, #tpu.memory_space<vmem>>) dst(%dma_wait3A_187 : memref<128x128xf32, #tpu.memory_space<hbm>>)
      tpu.yield
    }) : () -> ()
    %add3A_62 = arith.constant 128 : i32
    %add3A_63 = arith.addi %mul3A_10, %add3A_62 : i32
    %multiple_of3A_64 = tpu.assume_multiple %add3A_63, 8 : i32
    "tpu.region"() ({
      %run_scoped3A = tpu.sem_alloc : memref<!tpu.dma_semaphore, #tpu.memory_space<semaphore_mem>>
      %dma_start3A_176 = tpu.memref_slice %arg5[%multiple_of3A_64] : memref<10112xi32, #tpu.memory_space<hbm>> -> memref<128xi32, #tpu.memory_space<hbm>>
      %dma_start3A_177 = tpu.memref_slice %arg5[%multiple_of3A_64] : memref<10112xi32, #tpu.memory_space<hbm>> -> memref<128xi32, #tpu.memory_space<hbm>>
      tpu.enqueue_dma source(%dma_start3A_177 : memref<128xi32, #tpu.memory_space<hbm>>) target(%arg10 : memref<128xi32, #tpu.memory_space<vmem>>) target_semaphore(%run_scoped3A : memref<!tpu.dma_semaphore, #tpu.memory_space<semaphore_mem>>)
      %dma_wait3A_178 = tpu.memref_slice %arg5[%multiple_of3A_64] : memref<10112xi32, #tpu.memory_space<hbm>> -> memref<128xi32, #tpu.memory_space<hbm>>
      %dma_wait3A_179 = tpu.memref_slice %arg5[%multiple_of3A_64] : memref<10112xi32, #tpu.memory_space<hbm>> -> memref<128xi32, #tpu.memory_space<hbm>>
      tpu.wait_dma2 semaphore(%run_scoped3A : memref<!tpu.dma_semaphore, #tpu.memory_space<semaphore_mem>>) src(%dma_wait3A_179 : memref<128xi32, #tpu.memory_space<hbm>>) dst(%arg10 : memref<128xi32, #tpu.memory_space<vmem>>)
      tpu.yield
    }) : () -> ()
    %dma_start3A_65 = arith.constant 0 : i32
    %dma_start3A_66 = arith.constant 0 : i32
    %dma_start3A_67 = tpu.memref_slice %arg15[%dma_start3A_65, %dma_start3A_66] : memref<10112x128xf32, #tpu.memory_space<vmem_shared>> -> memref<10112x128xf32, #tpu.memory_space<vmem_shared>>
    tpu.enqueue_indirect_dma source(%dma_start3A_67 : memref<10112x128xf32, #tpu.memory_space<vmem_shared>>) target(%arg13 : memref<128x128xf32, #tpu.memory_space<vmem>>) offsets(%arg10 : memref<128xi32, #tpu.memory_space<vmem>>) semaphore(%arg16 : memref<!tpu.dma_semaphore, #tpu.memory_space<semaphore_mem>>)
    %dma_wait3A_68 = arith.constant 0 : i32
    %dma_wait3A_69 = arith.constant 0 : i32
    %dma_wait3A_70 = tpu.memref_slice %arg15[%dma_wait3A_68, %dma_wait3A_69] : memref<10112x128xf32, #tpu.memory_space<vmem_shared>> -> memref<10112x128xf32, #tpu.memory_space<vmem_shared>>
    tpu.wait_indirect_dma semaphore(%arg16 : memref<!tpu.dma_semaphore, #tpu.memory_space<semaphore_mem>>) src(%dma_wait3A_70 : memref<10112x128xf32, #tpu.memory_space<vmem_shared>>) dst(%arg13 : memref<128x128xf32, #tpu.memory_space<vmem>>)
    "tpu.region"() ({
      %run_scoped3A = tpu.sem_alloc : memref<!tpu.dma_semaphore, #tpu.memory_space<semaphore_mem>>
      %dma_start3A_176 = arith.constant 0 : i32
      %dma_start3A_177 = tpu.memref_slice %arg6[%arg0, %multiple_of3A_64, %dma_start3A_176] : memref<2x10112x128xf32, #tpu.memory_space<hbm>> -> memref<1x128x128xf32, #tpu.memory_space<hbm>>
      %dma_start3A_178 = tpu.memref_squeeze %dma_start3A_177 : memref<1x128x128xf32, #tpu.memory_space<hbm>> -> memref<128x128xf32, #tpu.memory_space<hbm>>
      %dma_start3A_179 = arith.constant 0 : i32
      %dma_start3A_180 = tpu.memref_slice %arg6[%arg0, %multiple_of3A_64, %dma_start3A_179] : memref<2x10112x128xf32, #tpu.memory_space<hbm>> -> memref<1x128x128xf32, #tpu.memory_space<hbm>>
      %dma_start3A_181 = tpu.memref_squeeze %dma_start3A_180 : memref<1x128x128xf32, #tpu.memory_space<hbm>> -> memref<128x128xf32, #tpu.memory_space<hbm>>
      tpu.enqueue_dma source(%arg13 : memref<128x128xf32, #tpu.memory_space<vmem>>) target(%dma_start3A_181 : memref<128x128xf32, #tpu.memory_space<hbm>>) target_semaphore(%run_scoped3A : memref<!tpu.dma_semaphore, #tpu.memory_space<semaphore_mem>>)
      %dma_wait3A_182 = arith.constant 0 : i32
      %dma_wait3A_183 = tpu.memref_slice %arg6[%arg0, %multiple_of3A_64, %dma_wait3A_182] : memref<2x10112x128xf32, #tpu.memory_space<hbm>> -> memref<1x128x128xf32, #tpu.memory_space<hbm>>
      %dma_wait3A_184 = tpu.memref_squeeze %dma_wait3A_183 : memref<1x128x128xf32, #tpu.memory_space<hbm>> -> memref<128x128xf32, #tpu.memory_space<hbm>>
      %dma_wait3A_185 = arith.constant 0 : i32
      %dma_wait3A_186 = tpu.memref_slice %arg6[%arg0, %multiple_of3A_64, %dma_wait3A_185] : memref<2x10112x128xf32, #tpu.memory_space<hbm>> -> memref<1x128x128xf32, #tpu.memory_space<hbm>>
      %dma_wait3A_187 = tpu.memref_squeeze %dma_wait3A_186 : memref<1x128x128xf32, #tpu.memory_space<hbm>> -> memref<128x128xf32, #tpu.memory_space<hbm>>
      tpu.wait_dma2 semaphore(%run_scoped3A : memref<!tpu.dma_semaphore, #tpu.memory_space<semaphore_mem>>) src(%arg13 : memref<128x128xf32, #tpu.memory_space<vmem>>) dst(%dma_wait3A_187 : memref<128x128xf32, #tpu.memory_space<hbm>>)
      tpu.yield
    }) : () -> ()
    %add3A_71 = arith.constant 256 : i32
    %add3A_72 = arith.addi %mul3A_10, %add3A_71 : i32
    %multiple_of3A_73 = tpu.assume_multiple %add3A_72, 8 : i32
    "tpu.region"() ({
      %run_scoped3A = tpu.sem_alloc : memref<!tpu.dma_semaphore, #tpu.memory_space<semaphore_mem>>
      %dma_start3A_176 = tpu.memref_slice %arg5[%multiple_of3A_73] : memref<10112xi32, #tpu.memory_space<hbm>> -> memref<128xi32, #tpu.memory_space<hbm>>
      %dma_start3A_177 = tpu.memref_slice %arg5[%multiple_of3A_73] : memref<10112xi32, #tpu.memory_space<hbm>> -> memref<128xi32, #tpu.memory_space<hbm>>
      tpu.enqueue_dma source(%dma_start3A_177 : memref<128xi32, #tpu.memory_space<hbm>>) target(%arg10 : memref<128xi32, #tpu.memory_space<vmem>>) target_semaphore(%run_scoped3A : memref<!tpu.dma_semaphore, #tpu.memory_space<semaphore_mem>>)
      %dma_wait3A_178 = tpu.memref_slice %arg5[%multiple_of3A_73] : memref<10112xi32, #tpu.memory_space<hbm>> -> memref<128xi32, #tpu.memory_space<hbm>>
      %dma_wait3A_179 = tpu.memref_slice %arg5[%multiple_of3A_73] : memref<10112xi32, #tpu.memory_space<hbm>> -> memref<128xi32, #tpu.memory_space<hbm>>
      tpu.wait_dma2 semaphore(%run_scoped3A : memref<!tpu.dma_semaphore, #tpu.memory_space<semaphore_mem>>) src(%dma_wait3A_179 : memref<128xi32, #tpu.memory_space<hbm>>) dst(%arg10 : memref<128xi32, #tpu.memory_space<vmem>>)
      tpu.yield
    }) : () -> ()
    %dma_start3A_74 = arith.constant 0 : i32
    %dma_start3A_75 = arith.constant 0 : i32
    %dma_start3A_76 = tpu.memref_slice %arg15[%dma_start3A_74, %dma_start3A_75] : memref<10112x128xf32, #tpu.memory_space<vmem_shared>> -> memref<10112x128xf32, #tpu.memory_space<vmem_shared>>
    tpu.enqueue_indirect_dma source(%dma_start3A_76 : memref<10112x128xf32, #tpu.memory_space<vmem_shared>>) target(%arg13 : memref<128x128xf32, #tpu.memory_space<vmem>>) offsets(%arg10 : memref<128xi32, #tpu.memory_space<vmem>>) semaphore(%arg16 : memref<!tpu.dma_semaphore, #tpu.memory_space<semaphore_mem>>)
    %dma_wait3A_77 = arith.constant 0 : i32
    %dma_wait3A_78 = arith.constant 0 : i32
    %dma_wait3A_79 = tpu.memref_slice %arg15[%dma_wait3A_77, %dma_wait3A_78] : memref<10112x128xf32, #tpu.memory_space<vmem_shared>> -> memref<10112x128xf32, #tpu.memory_space<vmem_shared>>
    tpu.wait_indirect_dma semaphore(%arg16 : memref<!tpu.dma_semaphore, #tpu.memory_space<semaphore_mem>>) src(%dma_wait3A_79 : memref<10112x128xf32, #tpu.memory_space<vmem_shared>>) dst(%arg13 : memref<128x128xf32, #tpu.memory_space<vmem>>)
    "tpu.region"() ({
      %run_scoped3A = tpu.sem_alloc : memref<!tpu.dma_semaphore, #tpu.memory_space<semaphore_mem>>
      %dma_start3A_176 = arith.constant 0 : i32
      %dma_start3A_177 = tpu.memref_slice %arg6[%arg0, %multiple_of3A_73, %dma_start3A_176] : memref<2x10112x128xf32, #tpu.memory_space<hbm>> -> memref<1x128x128xf32, #tpu.memory_space<hbm>>
      %dma_start3A_178 = tpu.memref_squeeze %dma_start3A_177 : memref<1x128x128xf32, #tpu.memory_space<hbm>> -> memref<128x128xf32, #tpu.memory_space<hbm>>
      %dma_start3A_179 = arith.constant 0 : i32
      %dma_start3A_180 = tpu.memref_slice %arg6[%arg0, %multiple_of3A_73, %dma_start3A_179] : memref<2x10112x128xf32, #tpu.memory_space<hbm>> -> memref<1x128x128xf32, #tpu.memory_space<hbm>>
      %dma_start3A_181 = tpu.memref_squeeze %dma_start3A_180 : memref<1x128x128xf32, #tpu.memory_space<hbm>> -> memref<128x128xf32, #tpu.memory_space<hbm>>
      tpu.enqueue_dma source(%arg13 : memref<128x128xf32, #tpu.memory_space<vmem>>) target(%dma_start3A_181 : memref<128x128xf32, #tpu.memory_space<hbm>>) target_semaphore(%run_scoped3A : memref<!tpu.dma_semaphore, #tpu.memory_space<semaphore_mem>>)
      %dma_wait3A_182 = arith.constant 0 : i32
      %dma_wait3A_183 = tpu.memref_slice %arg6[%arg0, %multiple_of3A_73, %dma_wait3A_182] : memref<2x10112x128xf32, #tpu.memory_space<hbm>> -> memref<1x128x128xf32, #tpu.memory_space<hbm>>
      %dma_wait3A_184 = tpu.memref_squeeze %dma_wait3A_183 : memref<1x128x128xf32, #tpu.memory_space<hbm>> -> memref<128x128xf32, #tpu.memory_space<hbm>>
      %dma_wait3A_185 = arith.constant 0 : i32
      %dma_wait3A_186 = tpu.memref_slice %arg6[%arg0, %multiple_of3A_73, %dma_wait3A_185] : memref<2x10112x128xf32, #tpu.memory_space<hbm>> -> memref<1x128x128xf32, #tpu.memory_space<hbm>>
      %dma_wait3A_187 = tpu.memref_squeeze %dma_wait3A_186 : memref<1x128x128xf32, #tpu.memory_space<hbm>> -> memref<128x128xf32, #tpu.memory_space<hbm>>
      tpu.wait_dma2 semaphore(%run_scoped3A : memref<!tpu.dma_semaphore, #tpu.memory_space<semaphore_mem>>) src(%arg13 : memref<128x128xf32, #tpu.memory_space<vmem>>) dst(%dma_wait3A_187 : memref<128x128xf32, #tpu.memory_space<hbm>>)
      tpu.yield
    }) : () -> ()
    %add3A_80 = arith.constant 384 : i32
    %add3A_81 = arith.addi %mul3A_10, %add3A_80 : i32
    %multiple_of3A_82 = tpu.assume_multiple %add3A_81, 8 : i32
    "tpu.region"() ({
      %run_scoped3A = tpu.sem_alloc : memref<!tpu.dma_semaphore, #tpu.memory_space<semaphore_mem>>
      %dma_start3A_176 = tpu.memref_slice %arg5[%multiple_of3A_82] : memref<10112xi32, #tpu.memory_space<hbm>> -> memref<128xi32, #tpu.memory_space<hbm>>
      %dma_start3A_177 = tpu.memref_slice %arg5[%multiple_of3A_82] : memref<10112xi32, #tpu.memory_space<hbm>> -> memref<128xi32, #tpu.memory_space<hbm>>
      tpu.enqueue_dma source(%dma_start3A_177 : memref<128xi32, #tpu.memory_space<hbm>>) target(%arg10 : memref<128xi32, #tpu.memory_space<vmem>>) target_semaphore(%run_scoped3A : memref<!tpu.dma_semaphore, #tpu.memory_space<semaphore_mem>>)
      %dma_wait3A_178 = tpu.memref_slice %arg5[%multiple_of3A_82] : memref<10112xi32, #tpu.memory_space<hbm>> -> memref<128xi32, #tpu.memory_space<hbm>>
      %dma_wait3A_179 = tpu.memref_slice %arg5[%multiple_of3A_82] : memref<10112xi32, #tpu.memory_space<hbm>> -> memref<128xi32, #tpu.memory_space<hbm>>
      tpu.wait_dma2 semaphore(%run_scoped3A : memref<!tpu.dma_semaphore, #tpu.memory_space<semaphore_mem>>) src(%dma_wait3A_179 : memref<128xi32, #tpu.memory_space<hbm>>) dst(%arg10 : memref<128xi32, #tpu.memory_space<vmem>>)
      tpu.yield
    }) : () -> ()
    %dma_start3A_83 = arith.constant 0 : i32
    %dma_start3A_84 = arith.constant 0 : i32
    %dma_start3A_85 = tpu.memref_slice %arg15[%dma_start3A_83, %dma_start3A_84] : memref<10112x128xf32, #tpu.memory_space<vmem_shared>> -> memref<10112x128xf32, #tpu.memory_space<vmem_shared>>
    tpu.enqueue_indirect_dma source(%dma_start3A_85 : memref<10112x128xf32, #tpu.memory_space<vmem_shared>>) target(%arg13 : memref<128x128xf32, #tpu.memory_space<vmem>>) offsets(%arg10 : memref<128xi32, #tpu.memory_space<vmem>>) semaphore(%arg16 : memref<!tpu.dma_semaphore, #tpu.memory_space<semaphore_mem>>)
    %dma_wait3A_86 = arith.constant 0 : i32
    %dma_wait3A_87 = arith.constant 0 : i32
    %dma_wait3A_88 = tpu.memref_slice %arg15[%dma_wait3A_86, %dma_wait3A_87] : memref<10112x128xf32, #tpu.memory_space<vmem_shared>> -> memref<10112x128xf32, #tpu.memory_space<vmem_shared>>
    tpu.wait_indirect_dma semaphore(%arg16 : memref<!tpu.dma_semaphore, #tpu.memory_space<semaphore_mem>>) src(%dma_wait3A_88 : memref<10112x128xf32, #tpu.memory_space<vmem_shared>>) dst(%arg13 : memref<128x128xf32, #tpu.memory_space<vmem>>)
    "tpu.region"() ({
      %run_scoped3A = tpu.sem_alloc : memref<!tpu.dma_semaphore, #tpu.memory_space<semaphore_mem>>
      %dma_start3A_176 = arith.constant 0 : i32
      %dma_start3A_177 = tpu.memref_slice %arg6[%arg0, %multiple_of3A_82, %dma_start3A_176] : memref<2x10112x128xf32, #tpu.memory_space<hbm>> -> memref<1x128x128xf32, #tpu.memory_space<hbm>>
      %dma_start3A_178 = tpu.memref_squeeze %dma_start3A_177 : memref<1x128x128xf32, #tpu.memory_space<hbm>> -> memref<128x128xf32, #tpu.memory_space<hbm>>
      %dma_start3A_179 = arith.constant 0 : i32
      %dma_start3A_180 = tpu.memref_slice %arg6[%arg0, %multiple_of3A_82, %dma_start3A_179] : memref<2x10112x128xf32, #tpu.memory_space<hbm>> -> memref<1x128x128xf32, #tpu.memory_space<hbm>>
      %dma_start3A_181 = tpu.memref_squeeze %dma_start3A_180 : memref<1x128x128xf32, #tpu.memory_space<hbm>> -> memref<128x128xf32, #tpu.memory_space<hbm>>
      tpu.enqueue_dma source(%arg13 : memref<128x128xf32, #tpu.memory_space<vmem>>) target(%dma_start3A_181 : memref<128x128xf32, #tpu.memory_space<hbm>>) target_semaphore(%run_scoped3A : memref<!tpu.dma_semaphore, #tpu.memory_space<semaphore_mem>>)
      %dma_wait3A_182 = arith.constant 0 : i32
      %dma_wait3A_183 = tpu.memref_slice %arg6[%arg0, %multiple_of3A_82, %dma_wait3A_182] : memref<2x10112x128xf32, #tpu.memory_space<hbm>> -> memref<1x128x128xf32, #tpu.memory_space<hbm>>
      %dma_wait3A_184 = tpu.memref_squeeze %dma_wait3A_183 : memref<1x128x128xf32, #tpu.memory_space<hbm>> -> memref<128x128xf32, #tpu.memory_space<hbm>>
      %dma_wait3A_185 = arith.constant 0 : i32
      %dma_wait3A_186 = tpu.memref_slice %arg6[%arg0, %multiple_of3A_82, %dma_wait3A_185] : memref<2x10112x128xf32, #tpu.memory_space<hbm>> -> memref<1x128x128xf32, #tpu.memory_space<hbm>>
      %dma_wait3A_187 = tpu.memref_squeeze %dma_wait3A_186 : memref<1x128x128xf32, #tpu.memory_space<hbm>> -> memref<128x128xf32, #tpu.memory_space<hbm>>
      tpu.wait_dma2 semaphore(%run_scoped3A : memref<!tpu.dma_semaphore, #tpu.memory_space<semaphore_mem>>) src(%arg13 : memref<128x128xf32, #tpu.memory_space<vmem>>) dst(%dma_wait3A_187 : memref<128x128xf32, #tpu.memory_space<hbm>>)
      tpu.yield
    }) : () -> ()
    %add3A_89 = arith.constant 504 : i32
    %add3A_90 = arith.addi %mul3A_10, %add3A_89 : i32
    %multiple_of3A_91 = tpu.assume_multiple %add3A_90, 8 : i32
    "tpu.region"() ({
      %run_scoped3A = tpu.sem_alloc : memref<!tpu.dma_semaphore, #tpu.memory_space<semaphore_mem>>
      %dma_start3A_176 = tpu.memref_slice %arg5[%multiple_of3A_91] : memref<10112xi32, #tpu.memory_space<hbm>> -> memref<128xi32, #tpu.memory_space<hbm>>
      %dma_start3A_177 = tpu.memref_slice %arg5[%multiple_of3A_91] : memref<10112xi32, #tpu.memory_space<hbm>> -> memref<128xi32, #tpu.memory_space<hbm>>
      tpu.enqueue_dma source(%dma_start3A_177 : memref<128xi32, #tpu.memory_space<hbm>>) target(%arg10 : memref<128xi32, #tpu.memory_space<vmem>>) target_semaphore(%run_scoped3A : memref<!tpu.dma_semaphore, #tpu.memory_space<semaphore_mem>>)
      %dma_wait3A_178 = tpu.memref_slice %arg5[%multiple_of3A_91] : memref<10112xi32, #tpu.memory_space<hbm>> -> memref<128xi32, #tpu.memory_space<hbm>>
      %dma_wait3A_179 = tpu.memref_slice %arg5[%multiple_of3A_91] : memref<10112xi32, #tpu.memory_space<hbm>> -> memref<128xi32, #tpu.memory_space<hbm>>
      tpu.wait_dma2 semaphore(%run_scoped3A : memref<!tpu.dma_semaphore, #tpu.memory_space<semaphore_mem>>) src(%dma_wait3A_179 : memref<128xi32, #tpu.memory_space<hbm>>) dst(%arg10 : memref<128xi32, #tpu.memory_space<vmem>>)
      tpu.yield
    }) : () -> ()
    %dma_start3A_92 = arith.constant 0 : i32
    %dma_start3A_93 = arith.constant 0 : i32
    %dma_start3A_94 = tpu.memref_slice %arg15[%dma_start3A_92, %dma_start3A_93] : memref<10112x128xf32, #tpu.memory_space<vmem_shared>> -> memref<10112x128xf32, #tpu.memory_space<vmem_shared>>
    tpu.enqueue_indirect_dma source(%dma_start3A_94 : memref<10112x128xf32, #tpu.memory_space<vmem_shared>>) target(%arg13 : memref<128x128xf32, #tpu.memory_space<vmem>>) offsets(%arg10 : memref<128xi32, #tpu.memory_space<vmem>>) semaphore(%arg16 : memref<!tpu.dma_semaphore, #tpu.memory_space<semaphore_mem>>)
    %dma_wait3A_95 = arith.constant 0 : i32
    %dma_wait3A_96 = arith.constant 0 : i32
    %dma_wait3A_97 = tpu.memref_slice %arg15[%dma_wait3A_95, %dma_wait3A_96] : memref<10112x128xf32, #tpu.memory_space<vmem_shared>> -> memref<10112x128xf32, #tpu.memory_space<vmem_shared>>
    tpu.wait_indirect_dma semaphore(%arg16 : memref<!tpu.dma_semaphore, #tpu.memory_space<semaphore_mem>>) src(%dma_wait3A_97 : memref<10112x128xf32, #tpu.memory_space<vmem_shared>>) dst(%arg13 : memref<128x128xf32, #tpu.memory_space<vmem>>)
    "tpu.region"() ({
      %run_scoped3A = tpu.sem_alloc : memref<!tpu.dma_semaphore, #tpu.memory_space<semaphore_mem>>
      %dma_start3A_176 = arith.constant 0 : i32
      %dma_start3A_177 = tpu.memref_slice %arg6[%arg0, %multiple_of3A_91, %dma_start3A_176] : memref<2x10112x128xf32, #tpu.memory_space<hbm>> -> memref<1x128x128xf32, #tpu.memory_space<hbm>>
      %dma_start3A_178 = tpu.memref_squeeze %dma_start3A_177 : memref<1x128x128xf32, #tpu.memory_space<hbm>> -> memref<128x128xf32, #tpu.memory_space<hbm>>
      %dma_start3A_179 = arith.constant 0 : i32
      %dma_start3A_180 = tpu.memref_slice %arg6[%arg0, %multiple_of3A_91, %dma_start3A_179] : memref<2x10112x128xf32, #tpu.memory_space<hbm>> -> memref<1x128x128xf32, #tpu.memory_space<hbm>>
      %dma_start3A_181 = tpu.memref_squeeze %dma_start3A_180 : memref<1x128x128xf32, #tpu.memory_space<hbm>> -> memref<128x128xf32, #tpu.memory_space<hbm>>
      tpu.enqueue_dma source(%arg13 : memref<128x128xf32, #tpu.memory_space<vmem>>) target(%dma_start3A_181 : memref<128x128xf32, #tpu.memory_space<hbm>>) target_semaphore(%run_scoped3A : memref<!tpu.dma_semaphore, #tpu.memory_space<semaphore_mem>>)
      %dma_wait3A_182 = arith.constant 0 : i32
      %dma_wait3A_183 = tpu.memref_slice %arg6[%arg0, %multiple_of3A_91, %dma_wait3A_182] : memref<2x10112x128xf32, #tpu.memory_space<hbm>> -> memref<1x128x128xf32, #tpu.memory_space<hbm>>
      %dma_wait3A_184 = tpu.memref_squeeze %dma_wait3A_183 : memref<1x128x128xf32, #tpu.memory_space<hbm>> -> memref<128x128xf32, #tpu.memory_space<hbm>>
      %dma_wait3A_185 = arith.constant 0 : i32
      %dma_wait3A_186 = tpu.memref_slice %arg6[%arg0, %multiple_of3A_91, %dma_wait3A_185] : memref<2x10112x128xf32, #tpu.memory_space<hbm>> -> memref<1x128x128xf32, #tpu.memory_space<hbm>>
      %dma_wait3A_187 = tpu.memref_squeeze %dma_wait3A_186 : memref<1x128x128xf32, #tpu.memory_space<hbm>> -> memref<128x128xf32, #tpu.memory_space<hbm>>
      tpu.wait_dma2 semaphore(%run_scoped3A : memref<!tpu.dma_semaphore, #tpu.memory_space<semaphore_mem>>) src(%arg13 : memref<128x128xf32, #tpu.memory_space<vmem>>) dst(%dma_wait3A_187 : memref<128x128xf32, #tpu.memory_space<hbm>>)
      tpu.yield
    }) : () -> ()
    %barrier3A_98 = arith.constant 0 : index
    tpu.barrier barrier_id(%barrier3A_98)
    %scan3A_99 = arith.constant 0 : i32
    %scan3A_100 = arith.constant 0 : i32
    %scan3A_101 = arith.constant 128 : i32
    %scan3A_102 = arith.addi %scan3A_100, %scan3A_101 : i32
    %scan3A_103 = arith.constant 1 : i32
    scf.for %scan3A_176 = %scan3A_100 to %scan3A_102 step %scan3A_103  : i32 {
      %swap3A = arith.index_cast %scan3A_176 : i32 to index
      %swap3A_177 = arith.constant 0 : index
      %swap3A_178 = tpu.vector_load %arg13[%swap3A, %swap3A_177] {strides = array<i32>} : memref<128x128xf32, #tpu.memory_space<vmem>>, vector<1x16xf32>,
      %swap3A_179 = vector.shape_cast %swap3A_178 : vector<1x16xf32> to vector<16xf32>
      %swap3A_180 = vector.shape_cast %broadcast_in_dim3A_1 : vector<16xf32> to vector<1x16xf32>
      tpu.vector_store %arg13[%swap3A, %swap3A_177], %swap3A_180 {strides = array<i32>} : memref<128x128xf32, #tpu.memory_space<vmem>>, vector<1x16xf32>,
      %swap3A_181 = arith.index_cast %scan3A_176 : i32 to index
      %swap3A_182 = arith.constant 16 : index
      %swap3A_183 = tpu.vector_load %arg13[%swap3A_181, %swap3A_182] {strides = array<i32>} : memref<128x128xf32, #tpu.memory_space<vmem>>, vector<1x16xf32>,
      %swap3A_184 = vector.shape_cast %swap3A_183 : vector<1x16xf32> to vector<16xf32>
      %swap3A_185 = vector.shape_cast %broadcast_in_dim3A_1 : vector<16xf32> to vector<1x16xf32>
      tpu.vector_store %arg13[%swap3A_181, %swap3A_182], %swap3A_185 {strides = array<i32>} : memref<128x128xf32, #tpu.memory_space<vmem>>, vector<1x16xf32>,
      %swap3A_186 = arith.index_cast %scan3A_176 : i32 to index
      %swap3A_187 = arith.constant 32 : index
      %swap3A_188 = tpu.vector_load %arg13[%swap3A_186, %swap3A_187] {strides = array<i32>} : memref<128x128xf32, #tpu.memory_space<vmem>>, vector<1x16xf32>,
      %swap3A_189 = vector.shape_cast %swap3A_188 : vector<1x16xf32> to vector<16xf32>
      %swap3A_190 = vector.shape_cast %broadcast_in_dim3A_1 : vector<16xf32> to vector<1x16xf32>
      tpu.vector_store %arg13[%swap3A_186, %swap3A_187], %swap3A_190 {strides = array<i32>} : memref<128x128xf32, #tpu.memory_space<vmem>>, vector<1x16xf32>,
      %swap3A_191 = arith.index_cast %scan3A_176 : i32 to index
      %swap3A_192 = arith.constant 48 : index
      %swap3A_193 = tpu.vector_load %arg13[%swap3A_191, %swap3A_192] {strides = array<i32>} : memref<128x128xf32, #tpu.memory_space<vmem>>, vector<1x16xf32>,
      %swap3A_194 = vector.shape_cast %swap3A_193 : vector<1x16xf32> to vector<16xf32>
      %swap3A_195 = vector.shape_cast %broadcast_in_dim3A_1 : vector<16xf32> to vector<1x16xf32>
      tpu.vector_store %arg13[%swap3A_191, %swap3A_192], %swap3A_195 {strides = array<i32>} : memref<128x128xf32, #tpu.memory_space<vmem>>, vector<1x16xf32>,
      %swap3A_196 = arith.index_cast %scan3A_176 : i32 to index
      %swap3A_197 = arith.constant 64 : index
      %swap3A_198 = tpu.vector_load %arg13[%swap3A_196, %swap3A_197] {strides = array<i32>} : memref<128x128xf32, #tpu.memory_space<vmem>>, vector<1x16xf32>,
      %swap3A_199 = vector.shape_cast %swap3A_198 : vector<1x16xf32> to vector<16xf32>
      %swap3A_200 = vector.shape_cast %broadcast_in_dim3A_1 : vector<16xf32> to vector<1x16xf32>
      tpu.vector_store %arg13[%swap3A_196, %swap3A_197], %swap3A_200 {strides = array<i32>} : memref<128x128xf32, #tpu.memory_space<vmem>>, vector<1x16xf32>,
      %swap3A_201 = arith.index_cast %scan3A_176 : i32 to index
      %swap3A_202 = arith.constant 80 : index
      %swap3A_203 = tpu.vector_load %arg13[%swap3A_201, %swap3A_202] {strides = array<i32>} : memref<128x128xf32, #tpu.memory_space<vmem>>, vector<1x16xf32>,
      %swap3A_204 = vector.shape_cast %swap3A_203 : vector<1x16xf32> to vector<16xf32>
      %swap3A_205 = vector.shape_cast %broadcast_in_dim3A_1 : vector<16xf32> to vector<1x16xf32>
      tpu.vector_store %arg13[%swap3A_201, %swap3A_202], %swap3A_205 {strides = array<i32>} : memref<128x128xf32, #tpu.memory_space<vmem>>, vector<1x16xf32>,
      %swap3A_206 = arith.index_cast %scan3A_176 : i32 to index
      %swap3A_207 = arith.constant 96 : index
      %swap3A_208 = tpu.vector_load %arg13[%swap3A_206, %swap3A_207] {strides = array<i32>} : memref<128x128xf32, #tpu.memory_space<vmem>>, vector<1x16xf32>,
      %swap3A_209 = vector.shape_cast %swap3A_208 : vector<1x16xf32> to vector<16xf32>
      %swap3A_210 = vector.shape_cast %broadcast_in_dim3A_1 : vector<16xf32> to vector<1x16xf32>
      tpu.vector_store %arg13[%swap3A_206, %swap3A_207], %swap3A_210 {strides = array<i32>} : memref<128x128xf32, #tpu.memory_space<vmem>>, vector<1x16xf32>,
      %swap3A_211 = arith.index_cast %scan3A_176 : i32 to index
      %swap3A_212 = arith.constant 112 : index
      %swap3A_213 = tpu.vector_load %arg13[%swap3A_211, %swap3A_212] {strides = array<i32>} : memref<128x128xf32, #tpu.memory_space<vmem>>, vector<1x16xf32>,
      %swap3A_214 = vector.shape_cast %swap3A_213 : vector<1x16xf32> to vector<16xf32>
      %swap3A_215 = vector.shape_cast %broadcast_in_dim3A_1 : vector<16xf32> to vector<1x16xf32>
      tpu.vector_store %arg13[%swap3A_211, %swap3A_212], %swap3A_215 {strides = array<i32>} : memref<128x128xf32, #tpu.memory_space<vmem>>, vector<1x16xf32>,
    }
    %scan3A_104 = arith.constant 128 : i32
    %add3A_105 = arith.constant 0 : i32
    %add3A_106 = arith.addi %mul3A_10, %add3A_105 : i32
    %multiple_of3A_107 = tpu.assume_multiple %add3A_106, 8 : i32
    "tpu.region"() ({
      %run_scoped3A = tpu.sem_alloc : memref<!tpu.dma_semaphore, #tpu.memory_space<semaphore_mem>>
      %dma_start3A_176 = tpu.memref_slice %arg5[%multiple_of3A_107] : memref<10112xi32, #tpu.memory_space<hbm>> -> memref<128xi32, #tpu.memory_space<hbm>>
      %dma_start3A_177 = tpu.memref_slice %arg5[%multiple_of3A_107] : memref<10112xi32, #tpu.memory_space<hbm>> -> memref<128xi32, #tpu.memory_space<hbm>>
      tpu.enqueue_dma source(%dma_start3A_177 : memref<128xi32, #tpu.memory_space<hbm>>) target(%arg10 : memref<128xi32, #tpu.memory_space<vmem>>) target_semaphore(%run_scoped3A : memref<!tpu.dma_semaphore, #tpu.memory_space<semaphore_mem>>)
      %dma_wait3A_178 = tpu.memref_slice %arg5[%multiple_of3A_107] : memref<10112xi32, #tpu.memory_space<hbm>> -> memref<128xi32, #tpu.memory_space<hbm>>
      %dma_wait3A_179 = tpu.memref_slice %arg5[%multiple_of3A_107] : memref<10112xi32, #tpu.memory_space<hbm>> -> memref<128xi32, #tpu.memory_space<hbm>>
      tpu.wait_dma2 semaphore(%run_scoped3A : memref<!tpu.dma_semaphore, #tpu.memory_space<semaphore_mem>>) src(%dma_wait3A_179 : memref<128xi32, #tpu.memory_space<hbm>>) dst(%arg10 : memref<128xi32, #tpu.memory_space<vmem>>)
      tpu.yield
    }) : () -> ()
    "tpu.region"() ({
      %run_scoped3A = tpu.sem_alloc : memref<!tpu.dma_semaphore, #tpu.memory_space<semaphore_mem>>
      %dma_start3A_176 = arith.constant 0 : i32
      %dma_start3A_177 = arith.constant 0 : i32
      %dma_start3A_178 = tpu.memref_slice %arg15[%dma_start3A_176, %dma_start3A_177] : memref<10112x128xf32, #tpu.memory_space<vmem_shared>> -> memref<10112x128xf32, #tpu.memory_space<vmem_shared>>
      tpu.enqueue_indirect_dma source(%arg13 : memref<128x128xf32, #tpu.memory_space<vmem>>) target(%dma_start3A_178 : memref<10112x128xf32, #tpu.memory_space<vmem_shared>>) offsets(%arg10 : memref<128xi32, #tpu.memory_space<vmem>>) semaphore(%run_scoped3A : memref<!tpu.dma_semaphore, #tpu.memory_space<semaphore_mem>>)
      %dma_wait3A_179 = arith.constant 0 : i32
      %dma_wait3A_180 = arith.constant 0 : i32
      %dma_wait3A_181 = tpu.memref_slice %arg15[%dma_wait3A_179, %dma_wait3A_180] : memref<10112x128xf32, #tpu.memory_space<vmem_shared>> -> memref<10112x128xf32, #tpu.memory_space<vmem_shared>>
      tpu.wait_indirect_dma semaphore(%run_scoped3A : memref<!tpu.dma_semaphore, #tpu.memory_space<semaphore_mem>>) src(%arg13 : memref<128x128xf32, #tpu.memory_space<vmem>>) dst(%dma_wait3A_181 : memref<10112x128xf32, #tpu.memory_space<vmem_shared>>)
      tpu.yield
    }) : () -> ()
    %add3A_108 = arith.constant 128 : i32
    %add3A_109 = arith.addi %mul3A_10, %add3A_108 : i32
    %multiple_of3A_110 = tpu.assume_multiple %add3A_109, 8 : i32
    "tpu.region"() ({
      %run_scoped3A = tpu.sem_alloc : memref<!tpu.dma_semaphore, #tpu.memory_space<semaphore_mem>>
      %dma_start3A_176 = tpu.memref_slice %arg5[%multiple_of3A_110] : memref<10112xi32, #tpu.memory_space<hbm>> -> memref<128xi32, #tpu.memory_space<hbm>>
      %dma_start3A_177 = tpu.memref_slice %arg5[%multiple_of3A_110] : memref<10112xi32, #tpu.memory_space<hbm>> -> memref<128xi32, #tpu.memory_space<hbm>>
      tpu.enqueue_dma source(%dma_start3A_177 : memref<128xi32, #tpu.memory_space<hbm>>) target(%arg10 : memref<128xi32, #tpu.memory_space<vmem>>) target_semaphore(%run_scoped3A : memref<!tpu.dma_semaphore, #tpu.memory_space<semaphore_mem>>)
      %dma_wait3A_178 = tpu.memref_slice %arg5[%multiple_of3A_110] : memref<10112xi32, #tpu.memory_space<hbm>> -> memref<128xi32, #tpu.memory_space<hbm>>
      %dma_wait3A_179 = tpu.memref_slice %arg5[%multiple_of3A_110] : memref<10112xi32, #tpu.memory_space<hbm>> -> memref<128xi32, #tpu.memory_space<hbm>>
      tpu.wait_dma2 semaphore(%run_scoped3A : memref<!tpu.dma_semaphore, #tpu.memory_space<semaphore_mem>>) src(%dma_wait3A_179 : memref<128xi32, #tpu.memory_space<hbm>>) dst(%arg10 : memref<128xi32, #tpu.memory_space<vmem>>)
      tpu.yield
    }) : () -> ()
    "tpu.region"() ({
      %run_scoped3A = tpu.sem_alloc : memref<!tpu.dma_semaphore, #tpu.memory_space<semaphore_mem>>
      %dma_start3A_176 = arith.constant 0 : i32
      %dma_start3A_177 = arith.constant 0 : i32
      %dma_start3A_178 = tpu.memref_slice %arg15[%dma_start3A_176, %dma_start3A_177] : memref<10112x128xf32, #tpu.memory_space<vmem_shared>> -> memref<10112x128xf32, #tpu.memory_space<vmem_shared>>
      tpu.enqueue_indirect_dma source(%arg13 : memref<128x128xf32, #tpu.memory_space<vmem>>) target(%dma_start3A_178 : memref<10112x128xf32, #tpu.memory_space<vmem_shared>>) offsets(%arg10 : memref<128xi32, #tpu.memory_space<vmem>>) semaphore(%run_scoped3A : memref<!tpu.dma_semaphore, #tpu.memory_space<semaphore_mem>>)
      %dma_wait3A_179 = arith.constant 0 : i32
      %dma_wait3A_180 = arith.constant 0 : i32
      %dma_wait3A_181 = tpu.memref_slice %arg15[%dma_wait3A_179, %dma_wait3A_180] : memref<10112x128xf32, #tpu.memory_space<vmem_shared>> -> memref<10112x128xf32, #tpu.memory_space<vmem_shared>>
      tpu.wait_indirect_dma semaphore(%run_scoped3A : memref<!tpu.dma_semaphore, #tpu.memory_space<semaphore_mem>>) src(%arg13 : memref<128x128xf32, #tpu.memory_space<vmem>>) dst(%dma_wait3A_181 : memref<10112x128xf32, #tpu.memory_space<vmem_shared>>)
      tpu.yield
    }) : () -> ()
    %add3A_111 = arith.constant 256 : i32
    %add3A_112 = arith.addi %mul3A_10, %add3A_111 : i32
    %multiple_of3A_113 = tpu.assume_multiple %add3A_112, 8 : i32
    "tpu.region"() ({
      %run_scoped3A = tpu.sem_alloc : memref<!tpu.dma_semaphore, #tpu.memory_space<semaphore_mem>>
      %dma_start3A_176 = tpu.memref_slice %arg5[%multiple_of3A_113] : memref<10112xi32, #tpu.memory_space<hbm>> -> memref<128xi32, #tpu.memory_space<hbm>>
      %dma_start3A_177 = tpu.memref_slice %arg5[%multiple_of3A_113] : memref<10112xi32, #tpu.memory_space<hbm>> -> memref<128xi32, #tpu.memory_space<hbm>>
      tpu.enqueue_dma source(%dma_start3A_177 : memref<128xi32, #tpu.memory_space<hbm>>) target(%arg10 : memref<128xi32, #tpu.memory_space<vmem>>) target_semaphore(%run_scoped3A : memref<!tpu.dma_semaphore, #tpu.memory_space<semaphore_mem>>)
      %dma_wait3A_178 = tpu.memref_slice %arg5[%multiple_of3A_113] : memref<10112xi32, #tpu.memory_space<hbm>> -> memref<128xi32, #tpu.memory_space<hbm>>
      %dma_wait3A_179 = tpu.memref_slice %arg5[%multiple_of3A_113] : memref<10112xi32, #tpu.memory_space<hbm>> -> memref<128xi32, #tpu.memory_space<hbm>>
      tpu.wait_dma2 semaphore(%run_scoped3A : memref<!tpu.dma_semaphore, #tpu.memory_space<semaphore_mem>>) src(%dma_wait3A_179 : memref<128xi32, #tpu.memory_space<hbm>>) dst(%arg10 : memref<128xi32, #tpu.memory_space<vmem>>)
      tpu.yield
    }) : () -> ()
    "tpu.region"() ({
      %run_scoped3A = tpu.sem_alloc : memref<!tpu.dma_semaphore, #tpu.memory_space<semaphore_mem>>
      %dma_start3A_176 = arith.constant 0 : i32
      %dma_start3A_177 = arith.constant 0 : i32
      %dma_start3A_178 = tpu.memref_slice %arg15[%dma_start3A_176, %dma_start3A_177] : memref<10112x128xf32, #tpu.memory_space<vmem_shared>> -> memref<10112x128xf32, #tpu.memory_space<vmem_shared>>
      tpu.enqueue_indirect_dma source(%arg13 : memref<128x128xf32, #tpu.memory_space<vmem>>) target(%dma_start3A_178 : memref<10112x128xf32, #tpu.memory_space<vmem_shared>>) offsets(%arg10 : memref<128xi32, #tpu.memory_space<vmem>>) semaphore(%run_scoped3A : memref<!tpu.dma_semaphore, #tpu.memory_space<semaphore_mem>>)
      %dma_wait3A_179 = arith.constant 0 : i32
      %dma_wait3A_180 = arith.constant 0 : i32
      %dma_wait3A_181 = tpu.memref_slice %arg15[%dma_wait3A_179, %dma_wait3A_180] : memref<10112x128xf32, #tpu.memory_space<vmem_shared>> -> memref<10112x128xf32, #tpu.memory_space<vmem_shared>>
      tpu.wait_indirect_dma semaphore(%run_scoped3A : memref<!tpu.dma_semaphore, #tpu.memory_space<semaphore_mem>>) src(%arg13 : memref<128x128xf32, #tpu.memory_space<vmem>>) dst(%dma_wait3A_181 : memref<10112x128xf32, #tpu.memory_space<vmem_shared>>)
      tpu.yield
    }) : () -> ()
    %add3A_114 = arith.constant 384 : i32
    %add3A_115 = arith.addi %mul3A_10, %add3A_114 : i32
    %multiple_of3A_116 = tpu.assume_multiple %add3A_115, 8 : i32
    "tpu.region"() ({
      %run_scoped3A = tpu.sem_alloc : memref<!tpu.dma_semaphore, #tpu.memory_space<semaphore_mem>>
      %dma_start3A_176 = tpu.memref_slice %arg5[%multiple_of3A_116] : memref<10112xi32, #tpu.memory_space<hbm>> -> memref<128xi32, #tpu.memory_space<hbm>>
      %dma_start3A_177 = tpu.memref_slice %arg5[%multiple_of3A_116] : memref<10112xi32, #tpu.memory_space<hbm>> -> memref<128xi32, #tpu.memory_space<hbm>>
      tpu.enqueue_dma source(%dma_start3A_177 : memref<128xi32, #tpu.memory_space<hbm>>) target(%arg10 : memref<128xi32, #tpu.memory_space<vmem>>) target_semaphore(%run_scoped3A : memref<!tpu.dma_semaphore, #tpu.memory_space<semaphore_mem>>)
      %dma_wait3A_178 = tpu.memref_slice %arg5[%multiple_of3A_116] : memref<10112xi32, #tpu.memory_space<hbm>> -> memref<128xi32, #tpu.memory_space<hbm>>
      %dma_wait3A_179 = tpu.memref_slice %arg5[%multiple_of3A_116] : memref<10112xi32, #tpu.memory_space<hbm>> -> memref<128xi32, #tpu.memory_space<hbm>>
      tpu.wait_dma2 semaphore(%run_scoped3A : memref<!tpu.dma_semaphore, #tpu.memory_space<semaphore_mem>>) src(%dma_wait3A_179 : memref<128xi32, #tpu.memory_space<hbm>>) dst(%arg10 : memref<128xi32, #tpu.memory_space<vmem>>)
      tpu.yield
    }) : () -> ()
    "tpu.region"() ({
      %run_scoped3A = tpu.sem_alloc : memref<!tpu.dma_semaphore, #tpu.memory_space<semaphore_mem>>
      %dma_start3A_176 = arith.constant 0 : i32
      %dma_start3A_177 = arith.constant 0 : i32
      %dma_start3A_178 = tpu.memref_slice %arg15[%dma_start3A_176, %dma_start3A_177] : memref<10112x128xf32, #tpu.memory_space<vmem_shared>> -> memref<10112x128xf32, #tpu.memory_space<vmem_shared>>
      tpu.enqueue_indirect_dma source(%arg13 : memref<128x128xf32, #tpu.memory_space<vmem>>) target(%dma_start3A_178 : memref<10112x128xf32, #tpu.memory_space<vmem_shared>>) offsets(%arg10 : memref<128xi32, #tpu.memory_space<vmem>>) semaphore(%run_scoped3A : memref<!tpu.dma_semaphore, #tpu.memory_space<semaphore_mem>>)
      %dma_wait3A_179 = arith.constant 0 : i32
      %dma_wait3A_180 = arith.constant 0 : i32
      %dma_wait3A_181 = tpu.memref_slice %arg15[%dma_wait3A_179, %dma_wait3A_180] : memref<10112x128xf32, #tpu.memory_space<vmem_shared>> -> memref<10112x128xf32, #tpu.memory_space<vmem_shared>>
      tpu.wait_indirect_dma semaphore(%run_scoped3A : memref<!tpu.dma_semaphore, #tpu.memory_space<semaphore_mem>>) src(%arg13 : memref<128x128xf32, #tpu.memory_space<vmem>>) dst(%dma_wait3A_181 : memref<10112x128xf32, #tpu.memory_space<vmem_shared>>)
      tpu.yield
    }) : () -> ()
    %add3A_117 = arith.constant 504 : i32
    %add3A_118 = arith.addi %mul3A_10, %add3A_117 : i32
    %multiple_of3A_119 = tpu.assume_multiple %add3A_118, 8 : i32
    "tpu.region"() ({
      %run_scoped3A = tpu.sem_alloc : memref<!tpu.dma_semaphore, #tpu.memory_space<semaphore_mem>>
      %dma_start3A_176 = tpu.memref_slice %arg5[%multiple_of3A_119] : memref<10112xi32, #tpu.memory_space<hbm>> -> memref<128xi32, #tpu.memory_space<hbm>>
      %dma_start3A_177 = tpu.memref_slice %arg5[%multiple_of3A_119] : memref<10112xi32, #tpu.memory_space<hbm>> -> memref<128xi32, #tpu.memory_space<hbm>>
      tpu.enqueue_dma source(%dma_start3A_177 : memref<128xi32, #tpu.memory_space<hbm>>) target(%arg10 : memref<128xi32, #tpu.memory_space<vmem>>) target_semaphore(%run_scoped3A : memref<!tpu.dma_semaphore, #tpu.memory_space<semaphore_mem>>)
      %dma_wait3A_178 = tpu.memref_slice %arg5[%multiple_of3A_119] : memref<10112xi32, #tpu.memory_space<hbm>> -> memref<128xi32, #tpu.memory_space<hbm>>
      %dma_wait3A_179 = tpu.memref_slice %arg5[%multiple_of3A_119] : memref<10112xi32, #tpu.memory_space<hbm>> -> memref<128xi32, #tpu.memory_space<hbm>>
      tpu.wait_dma2 semaphore(%run_scoped3A : memref<!tpu.dma_semaphore, #tpu.memory_space<semaphore_mem>>) src(%dma_wait3A_179 : memref<128xi32, #tpu.memory_space<hbm>>) dst(%arg10 : memref<128xi32, #tpu.memory_space<vmem>>)
      tpu.yield
    }) : () -> ()
    "tpu.region"() ({
      %run_scoped3A = tpu.sem_alloc : memref<!tpu.dma_semaphore, #tpu.memory_space<semaphore_mem>>
      %dma_start3A_176 = arith.constant 0 : i32
      %dma_start3A_177 = arith.constant 0 : i32
      %dma_start3A_178 = tpu.memref_slice %arg15[%dma_start3A_176, %dma_start3A_177] : memref<10112x128xf32, #tpu.memory_space<vmem_shared>> -> memref<10112x128xf32, #tpu.memory_space<vmem_shared>>
      tpu.enqueue_indirect_dma source(%arg13 : memref<128x128xf32, #tpu.memory_space<vmem>>) target(%dma_start3A_178 : memref<10112x128xf32, #tpu.memory_space<vmem_shared>>) offsets(%arg10 : memref<128xi32, #tpu.memory_space<vmem>>) semaphore(%run_scoped3A : memref<!tpu.dma_semaphore, #tpu.memory_space<semaphore_mem>>)
      %dma_wait3A_179 = arith.constant 0 : i32
      %dma_wait3A_180 = arith.constant 0 : i32
      %dma_wait3A_181 = tpu.memref_slice %arg15[%dma_wait3A_179, %dma_wait3A_180] : memref<10112x128xf32, #tpu.memory_space<vmem_shared>> -> memref<10112x128xf32, #tpu.memory_space<vmem_shared>>
      tpu.wait_indirect_dma semaphore(%run_scoped3A : memref<!tpu.dma_semaphore, #tpu.memory_space<semaphore_mem>>) src(%arg13 : memref<128x128xf32, #tpu.memory_space<vmem>>) dst(%dma_wait3A_181 : memref<10112x128xf32, #tpu.memory_space<vmem_shared>>)
      tpu.yield
    }) : () -> ()
    %barrier3A_120 = arith.constant 0 : index
    tpu.barrier barrier_id(%barrier3A_120)
    %scan3A_121 = arith.constant 0 : i32
    %scan3A_122 = arith.constant 0 : i32
    %scan3A_123 = arith.constant 78 : i32
    %scan3A_124 = arith.addi %scan3A_122, %scan3A_123 : i32
    %scan3A_125 = arith.constant 1 : i32
    scf.for %scan3A_176 = %scan3A_122 to %scan3A_124 step %scan3A_125  : i32 {
      %mul3A_177 = arith.constant 128 : i32
      %mul3A_178 = arith.muli %scan3A_176, %mul3A_177 : i32
      %add3A_179 = arith.addi %mul3A_12, %mul3A_178 : i32
      %multiple_of3A_180 = tpu.assume_multiple %add3A_179, 8 : i32
      "tpu.region"() ({
        %run_scoped3A = tpu.sem_alloc : memref<!tpu.dma_semaphore, #tpu.memory_space<semaphore_mem>>
        %dma_start3A_181 = tpu.memref_slice %arg2[%multiple_of3A_180] : memref<320000xi32, #tpu.memory_space<hbm>> -> memref<128xi32, #tpu.memory_space<hbm>>
        %dma_start3A_182 = tpu.memref_slice %arg2[%multiple_of3A_180] : memref<320000xi32, #tpu.memory_space<hbm>> -> memref<128xi32, #tpu.memory_space<hbm>>
        tpu.enqueue_dma source(%dma_start3A_182 : memref<128xi32, #tpu.memory_space<hbm>>) target(%arg8 : memref<128xi32, #tpu.memory_space<vmem>>) target_semaphore(%run_scoped3A : memref<!tpu.dma_semaphore, #tpu.memory_space<semaphore_mem>>)
        %dma_wait3A_183 = tpu.memref_slice %arg2[%multiple_of3A_180] : memref<320000xi32, #tpu.memory_space<hbm>> -> memref<128xi32, #tpu.memory_space<hbm>>
        %dma_wait3A_184 = tpu.memref_slice %arg2[%multiple_of3A_180] : memref<320000xi32, #tpu.memory_space<hbm>> -> memref<128xi32, #tpu.memory_space<hbm>>
        tpu.wait_dma2 semaphore(%run_scoped3A : memref<!tpu.dma_semaphore, #tpu.memory_space<semaphore_mem>>) src(%dma_wait3A_184 : memref<128xi32, #tpu.memory_space<hbm>>) dst(%arg8 : memref<128xi32, #tpu.memory_space<vmem>>)
        tpu.yield
      }) : () -> ()
      "tpu.region"() ({
        %run_scoped3A = tpu.sem_alloc : memref<!tpu.dma_semaphore, #tpu.memory_space<semaphore_mem>>
        %dma_start3A_181 = arith.constant 0 : i32
        %dma_start3A_182 = arith.constant 0 : i32
        %dma_start3A_183 = tpu.memref_slice %arg15[%dma_start3A_181, %dma_start3A_182] : memref<10112x128xf32, #tpu.memory_space<vmem_shared>> -> memref<10112x128xf32, #tpu.memory_space<vmem_shared>>
        tpu.enqueue_indirect_dma source(%arg14 : memref<128x128xf32, #tpu.memory_space<vmem>>) target(%dma_start3A_183 : memref<10112x128xf32, #tpu.memory_space<vmem_shared>>) offsets(%arg8 : memref<128xi32, #tpu.memory_space<vmem>>) semaphore(%run_scoped3A : memref<!tpu.dma_semaphore, #tpu.memory_space<semaphore_mem>>) {add = true}
        %dma_wait3A_184 = arith.constant 0 : i32
        %dma_wait3A_185 = arith.constant 0 : i32
        %dma_wait3A_186 = tpu.memref_slice %arg15[%dma_wait3A_184, %dma_wait3A_185] : memref<10112x128xf32, #tpu.memory_space<vmem_shared>> -> memref<10112x128xf32, #tpu.memory_space<vmem_shared>>
        tpu.wait_indirect_dma semaphore(%run_scoped3A : memref<!tpu.dma_semaphore, #tpu.memory_space<semaphore_mem>>) src(%arg14 : memref<128x128xf32, #tpu.memory_space<vmem>>) dst(%dma_wait3A_186 : memref<10112x128xf32, #tpu.memory_space<vmem_shared>>)
        tpu.yield
      }) : () -> ()
    }
    %scan3A_126 = arith.constant 78 : i32
    %add3A_127 = arith.constant 9984 : i32
    %add3A_128 = arith.addi %mul3A_12, %add3A_127 : i32
    %multiple_of3A_129 = tpu.assume_multiple %add3A_128, 8 : i32
    "tpu.region"() ({
      %run_scoped3A = tpu.sem_alloc : memref<!tpu.dma_semaphore, #tpu.memory_space<semaphore_mem>>
      %dma_start3A_176 = tpu.memref_slice %arg2[%multiple_of3A_129] : memref<320000xi32, #tpu.memory_space<hbm>> -> memref<16xi32, #tpu.memory_space<hbm>>
      %dma_start3A_177 = tpu.memref_slice %arg2[%multiple_of3A_129] : memref<320000xi32, #tpu.memory_space<hbm>> -> memref<16xi32, #tpu.memory_space<hbm>>
      tpu.enqueue_dma source(%dma_start3A_177 : memref<16xi32, #tpu.memory_space<hbm>>) target(%arg11 : memref<16xi32, #tpu.memory_space<vmem>>) target_semaphore(%run_scoped3A : memref<!tpu.dma_semaphore, #tpu.memory_space<semaphore_mem>>)
      %dma_wait3A_178 = tpu.memref_slice %arg2[%multiple_of3A_129] : memref<320000xi32, #tpu.memory_space<hbm>> -> memref<16xi32, #tpu.memory_space<hbm>>
      %dma_wait3A_179 = tpu.memref_slice %arg2[%multiple_of3A_129] : memref<320000xi32, #tpu.memory_space<hbm>> -> memref<16xi32, #tpu.memory_space<hbm>>
      tpu.wait_dma2 semaphore(%run_scoped3A : memref<!tpu.dma_semaphore, #tpu.memory_space<semaphore_mem>>) src(%dma_wait3A_179 : memref<16xi32, #tpu.memory_space<hbm>>) dst(%arg11 : memref<16xi32, #tpu.memory_space<vmem>>)
      tpu.yield
    }) : () -> ()
    "tpu.region"() ({
      %run_scoped3A = tpu.sem_alloc : memref<!tpu.dma_semaphore, #tpu.memory_space<semaphore_mem>>
      %dma_start3A_176 = arith.constant 0 : i32
      %dma_start3A_177 = arith.constant 0 : i32
      %dma_start3A_178 = tpu.memref_slice %arg14[%dma_start3A_176, %dma_start3A_177] : memref<128x128xf32, #tpu.memory_space<vmem>> -> memref<16x128xf32, #tpu.memory_space<vmem>>
      %dma_start3A_179 = arith.constant 0 : i32
      %dma_start3A_180 = arith.constant 0 : i32
      %dma_start3A_181 = tpu.memref_slice %arg15[%dma_start3A_179, %dma_start3A_180] : memref<10112x128xf32, #tpu.memory_space<vmem_shared>> -> memref<10112x128xf32, #tpu.memory_space<vmem_shared>>
      tpu.enqueue_indirect_dma source(%dma_start3A_178 : memref<16x128xf32, #tpu.memory_space<vmem>>) target(%dma_start3A_181 : memref<10112x128xf32, #tpu.memory_space<vmem_shared>>) offsets(%arg11 : memref<16xi32, #tpu.memory_space<vmem>>) semaphore(%run_scoped3A : memref<!tpu.dma_semaphore, #tpu.memory_space<semaphore_mem>>) {add = true}
      %dma_wait3A_182 = arith.constant 0 : i32
      %dma_wait3A_183 = arith.constant 0 : i32
      %dma_wait3A_184 = tpu.memref_slice %arg14[%dma_wait3A_182, %dma_wait3A_183] : memref<128x128xf32, #tpu.memory_space<vmem>> -> memref<16x128xf32, #tpu.memory_space<vmem>>
      %dma_wait3A_185 = arith.constant 0 : i32
      %dma_wait3A_186 = arith.constant 0 : i32
      %dma_wait3A_187 = tpu.memref_slice %arg15[%dma_wait3A_185, %dma_wait3A_186] : memref<10112x128xf32, #tpu.memory_space<vmem_shared>> -> memref<10112x128xf32, #tpu.memory_space<vmem_shared>>
      tpu.wait_indirect_dma semaphore(%run_scoped3A : memref<!tpu.dma_semaphore, #tpu.memory_space<semaphore_mem>>) src(%dma_wait3A_184 : memref<16x128xf32, #tpu.memory_space<vmem>>) dst(%dma_wait3A_187 : memref<10112x128xf32, #tpu.memory_space<vmem_shared>>)
      tpu.yield
    }) : () -> ()
    %barrier3A_130 = arith.constant 0 : index
    tpu.barrier barrier_id(%barrier3A_130)
    %add3A_131 = arith.constant 0 : i32
    %add3A_132 = arith.addi %mul3A_10, %add3A_131 : i32
    %multiple_of3A_133 = tpu.assume_multiple %add3A_132, 8 : i32
    "tpu.region"() ({
      %run_scoped3A = tpu.sem_alloc : memref<!tpu.dma_semaphore, #tpu.memory_space<semaphore_mem>>
      %dma_start3A_176 = tpu.memref_slice %arg5[%multiple_of3A_133] : memref<10112xi32, #tpu.memory_space<hbm>> -> memref<128xi32, #tpu.memory_space<hbm>>
      %dma_start3A_177 = tpu.memref_slice %arg5[%multiple_of3A_133] : memref<10112xi32, #tpu.memory_space<hbm>> -> memref<128xi32, #tpu.memory_space<hbm>>
      tpu.enqueue_dma source(%dma_start3A_177 : memref<128xi32, #tpu.memory_space<hbm>>) target(%arg10 : memref<128xi32, #tpu.memory_space<vmem>>) target_semaphore(%run_scoped3A : memref<!tpu.dma_semaphore, #tpu.memory_space<semaphore_mem>>)
      %dma_wait3A_178 = tpu.memref_slice %arg5[%multiple_of3A_133] : memref<10112xi32, #tpu.memory_space<hbm>> -> memref<128xi32, #tpu.memory_space<hbm>>
      %dma_wait3A_179 = tpu.memref_slice %arg5[%multiple_of3A_133] : memref<10112xi32, #tpu.memory_space<hbm>> -> memref<128xi32, #tpu.memory_space<hbm>>
      tpu.wait_dma2 semaphore(%run_scoped3A : memref<!tpu.dma_semaphore, #tpu.memory_space<semaphore_mem>>) src(%dma_wait3A_179 : memref<128xi32, #tpu.memory_space<hbm>>) dst(%arg10 : memref<128xi32, #tpu.memory_space<vmem>>)
      tpu.yield
    }) : () -> ()
    %dma_start3A_134 = arith.constant 0 : i32
    %dma_start3A_135 = arith.constant 0 : i32
    %dma_start3A_136 = tpu.memref_slice %arg15[%dma_start3A_134, %dma_start3A_135] : memref<10112x128xf32, #tpu.memory_space<vmem_shared>> -> memref<10112x128xf32, #tpu.memory_space<vmem_shared>>
    tpu.enqueue_indirect_dma source(%dma_start3A_136 : memref<10112x128xf32, #tpu.memory_space<vmem_shared>>) target(%arg13 : memref<128x128xf32, #tpu.memory_space<vmem>>) offsets(%arg10 : memref<128xi32, #tpu.memory_space<vmem>>) semaphore(%arg16 : memref<!tpu.dma_semaphore, #tpu.memory_space<semaphore_mem>>)
    %dma_wait3A_137 = arith.constant 0 : i32
    %dma_wait3A_138 = arith.constant 0 : i32
    %dma_wait3A_139 = tpu.memref_slice %arg15[%dma_wait3A_137, %dma_wait3A_138] : memref<10112x128xf32, #tpu.memory_space<vmem_shared>> -> memref<10112x128xf32, #tpu.memory_space<vmem_shared>>
    tpu.wait_indirect_dma semaphore(%arg16 : memref<!tpu.dma_semaphore, #tpu.memory_space<semaphore_mem>>) src(%dma_wait3A_139 : memref<10112x128xf32, #tpu.memory_space<vmem_shared>>) dst(%arg13 : memref<128x128xf32, #tpu.memory_space<vmem>>)
    "tpu.region"() ({
      %run_scoped3A = tpu.sem_alloc : memref<!tpu.dma_semaphore, #tpu.memory_space<semaphore_mem>>
      %dma_start3A_176 = arith.constant 0 : i32
      %dma_start3A_177 = tpu.memref_slice %arg7[%arg0, %multiple_of3A_133, %dma_start3A_176] : memref<2x10112x128xf32, #tpu.memory_space<hbm>> -> memref<1x128x128xf32, #tpu.memory_space<hbm>>
      %dma_start3A_178 = tpu.memref_squeeze %dma_start3A_177 : memref<1x128x128xf32, #tpu.memory_space<hbm>> -> memref<128x128xf32, #tpu.memory_space<hbm>>
      %dma_start3A_179 = arith.constant 0 : i32
      %dma_start3A_180 = tpu.memref_slice %arg7[%arg0, %multiple_of3A_133, %dma_start3A_179] : memref<2x10112x128xf32, #tpu.memory_space<hbm>> -> memref<1x128x128xf32, #tpu.memory_space<hbm>>
      %dma_start3A_181 = tpu.memref_squeeze %dma_start3A_180 : memref<1x128x128xf32, #tpu.memory_space<hbm>> -> memref<128x128xf32, #tpu.memory_space<hbm>>
      tpu.enqueue_dma source(%arg13 : memref<128x128xf32, #tpu.memory_space<vmem>>) target(%dma_start3A_181 : memref<128x128xf32, #tpu.memory_space<hbm>>) target_semaphore(%run_scoped3A : memref<!tpu.dma_semaphore, #tpu.memory_space<semaphore_mem>>)
      %dma_wait3A_182 = arith.constant 0 : i32
      %dma_wait3A_183 = tpu.memref_slice %arg7[%arg0, %multiple_of3A_133, %dma_wait3A_182] : memref<2x10112x128xf32, #tpu.memory_space<hbm>> -> memref<1x128x128xf32, #tpu.memory_space<hbm>>
      %dma_wait3A_184 = tpu.memref_squeeze %dma_wait3A_183 : memref<1x128x128xf32, #tpu.memory_space<hbm>> -> memref<128x128xf32, #tpu.memory_space<hbm>>
      %dma_wait3A_185 = arith.constant 0 : i32
      %dma_wait3A_186 = tpu.memref_slice %arg7[%arg0, %multiple_of3A_133, %dma_wait3A_185] : memref<2x10112x128xf32, #tpu.memory_space<hbm>> -> memref<1x128x128xf32, #tpu.memory_space<hbm>>
      %dma_wait3A_187 = tpu.memref_squeeze %dma_wait3A_186 : memref<1x128x128xf32, #tpu.memory_space<hbm>> -> memref<128x128xf32, #tpu.memory_space<hbm>>
      tpu.wait_dma2 semaphore(%run_scoped3A : memref<!tpu.dma_semaphore, #tpu.memory_space<semaphore_mem>>) src(%arg13 : memref<128x128xf32, #tpu.memory_space<vmem>>) dst(%dma_wait3A_187 : memref<128x128xf32, #tpu.memory_space<hbm>>)
      tpu.yield
    }) : () -> ()
    %add3A_140 = arith.constant 128 : i32
    %add3A_141 = arith.addi %mul3A_10, %add3A_140 : i32
    %multiple_of3A_142 = tpu.assume_multiple %add3A_141, 8 : i32
    "tpu.region"() ({
      %run_scoped3A = tpu.sem_alloc : memref<!tpu.dma_semaphore, #tpu.memory_space<semaphore_mem>>
      %dma_start3A_176 = tpu.memref_slice %arg5[%multiple_of3A_142] : memref<10112xi32, #tpu.memory_space<hbm>> -> memref<128xi32, #tpu.memory_space<hbm>>
      %dma_start3A_177 = tpu.memref_slice %arg5[%multiple_of3A_142] : memref<10112xi32, #tpu.memory_space<hbm>> -> memref<128xi32, #tpu.memory_space<hbm>>
      tpu.enqueue_dma source(%dma_start3A_177 : memref<128xi32, #tpu.memory_space<hbm>>) target(%arg10 : memref<128xi32, #tpu.memory_space<vmem>>) target_semaphore(%run_scoped3A : memref<!tpu.dma_semaphore, #tpu.memory_space<semaphore_mem>>)
      %dma_wait3A_178 = tpu.memref_slice %arg5[%multiple_of3A_142] : memref<10112xi32, #tpu.memory_space<hbm>> -> memref<128xi32, #tpu.memory_space<hbm>>
      %dma_wait3A_179 = tpu.memref_slice %arg5[%multiple_of3A_142] : memref<10112xi32, #tpu.memory_space<hbm>> -> memref<128xi32, #tpu.memory_space<hbm>>
      tpu.wait_dma2 semaphore(%run_scoped3A : memref<!tpu.dma_semaphore, #tpu.memory_space<semaphore_mem>>) src(%dma_wait3A_179 : memref<128xi32, #tpu.memory_space<hbm>>) dst(%arg10 : memref<128xi32, #tpu.memory_space<vmem>>)
      tpu.yield
    }) : () -> ()
    %dma_start3A_143 = arith.constant 0 : i32
    %dma_start3A_144 = arith.constant 0 : i32
    %dma_start3A_145 = tpu.memref_slice %arg15[%dma_start3A_143, %dma_start3A_144] : memref<10112x128xf32, #tpu.memory_space<vmem_shared>> -> memref<10112x128xf32, #tpu.memory_space<vmem_shared>>
    tpu.enqueue_indirect_dma source(%dma_start3A_145 : memref<10112x128xf32, #tpu.memory_space<vmem_shared>>) target(%arg13 : memref<128x128xf32, #tpu.memory_space<vmem>>) offsets(%arg10 : memref<128xi32, #tpu.memory_space<vmem>>) semaphore(%arg16 : memref<!tpu.dma_semaphore, #tpu.memory_space<semaphore_mem>>)
    %dma_wait3A_146 = arith.constant 0 : i32
    %dma_wait3A_147 = arith.constant 0 : i32
    %dma_wait3A_148 = tpu.memref_slice %arg15[%dma_wait3A_146, %dma_wait3A_147] : memref<10112x128xf32, #tpu.memory_space<vmem_shared>> -> memref<10112x128xf32, #tpu.memory_space<vmem_shared>>
    tpu.wait_indirect_dma semaphore(%arg16 : memref<!tpu.dma_semaphore, #tpu.memory_space<semaphore_mem>>) src(%dma_wait3A_148 : memref<10112x128xf32, #tpu.memory_space<vmem_shared>>) dst(%arg13 : memref<128x128xf32, #tpu.memory_space<vmem>>)
    "tpu.region"() ({
      %run_scoped3A = tpu.sem_alloc : memref<!tpu.dma_semaphore, #tpu.memory_space<semaphore_mem>>
      %dma_start3A_176 = arith.constant 0 : i32
      %dma_start3A_177 = tpu.memref_slice %arg7[%arg0, %multiple_of3A_142, %dma_start3A_176] : memref<2x10112x128xf32, #tpu.memory_space<hbm>> -> memref<1x128x128xf32, #tpu.memory_space<hbm>>
      %dma_start3A_178 = tpu.memref_squeeze %dma_start3A_177 : memref<1x128x128xf32, #tpu.memory_space<hbm>> -> memref<128x128xf32, #tpu.memory_space<hbm>>
      %dma_start3A_179 = arith.constant 0 : i32
      %dma_start3A_180 = tpu.memref_slice %arg7[%arg0, %multiple_of3A_142, %dma_start3A_179] : memref<2x10112x128xf32, #tpu.memory_space<hbm>> -> memref<1x128x128xf32, #tpu.memory_space<hbm>>
      %dma_start3A_181 = tpu.memref_squeeze %dma_start3A_180 : memref<1x128x128xf32, #tpu.memory_space<hbm>> -> memref<128x128xf32, #tpu.memory_space<hbm>>
      tpu.enqueue_dma source(%arg13 : memref<128x128xf32, #tpu.memory_space<vmem>>) target(%dma_start3A_181 : memref<128x128xf32, #tpu.memory_space<hbm>>) target_semaphore(%run_scoped3A : memref<!tpu.dma_semaphore, #tpu.memory_space<semaphore_mem>>)
      %dma_wait3A_182 = arith.constant 0 : i32
      %dma_wait3A_183 = tpu.memref_slice %arg7[%arg0, %multiple_of3A_142, %dma_wait3A_182] : memref<2x10112x128xf32, #tpu.memory_space<hbm>> -> memref<1x128x128xf32, #tpu.memory_space<hbm>>
      %dma_wait3A_184 = tpu.memref_squeeze %dma_wait3A_183 : memref<1x128x128xf32, #tpu.memory_space<hbm>> -> memref<128x128xf32, #tpu.memory_space<hbm>>
      %dma_wait3A_185 = arith.constant 0 : i32
      %dma_wait3A_186 = tpu.memref_slice %arg7[%arg0, %multiple_of3A_142, %dma_wait3A_185] : memref<2x10112x128xf32, #tpu.memory_space<hbm>> -> memref<1x128x128xf32, #tpu.memory_space<hbm>>
      %dma_wait3A_187 = tpu.memref_squeeze %dma_wait3A_186 : memref<1x128x128xf32, #tpu.memory_space<hbm>> -> memref<128x128xf32, #tpu.memory_space<hbm>>
      tpu.wait_dma2 semaphore(%run_scoped3A : memref<!tpu.dma_semaphore, #tpu.memory_space<semaphore_mem>>) src(%arg13 : memref<128x128xf32, #tpu.memory_space<vmem>>) dst(%dma_wait3A_187 : memref<128x128xf32, #tpu.memory_space<hbm>>)
      tpu.yield
    }) : () -> ()
    %add3A_149 = arith.constant 256 : i32
    %add3A_150 = arith.addi %mul3A_10, %add3A_149 : i32
    %multiple_of3A_151 = tpu.assume_multiple %add3A_150, 8 : i32
    "tpu.region"() ({
      %run_scoped3A = tpu.sem_alloc : memref<!tpu.dma_semaphore, #tpu.memory_space<semaphore_mem>>
      %dma_start3A_176 = tpu.memref_slice %arg5[%multiple_of3A_151] : memref<10112xi32, #tpu.memory_space<hbm>> -> memref<128xi32, #tpu.memory_space<hbm>>
      %dma_start3A_177 = tpu.memref_slice %arg5[%multiple_of3A_151] : memref<10112xi32, #tpu.memory_space<hbm>> -> memref<128xi32, #tpu.memory_space<hbm>>
      tpu.enqueue_dma source(%dma_start3A_177 : memref<128xi32, #tpu.memory_space<hbm>>) target(%arg10 : memref<128xi32, #tpu.memory_space<vmem>>) target_semaphore(%run_scoped3A : memref<!tpu.dma_semaphore, #tpu.memory_space<semaphore_mem>>)
      %dma_wait3A_178 = tpu.memref_slice %arg5[%multiple_of3A_151] : memref<10112xi32, #tpu.memory_space<hbm>> -> memref<128xi32, #tpu.memory_space<hbm>>
      %dma_wait3A_179 = tpu.memref_slice %arg5[%multiple_of3A_151] : memref<10112xi32, #tpu.memory_space<hbm>> -> memref<128xi32, #tpu.memory_space<hbm>>
      tpu.wait_dma2 semaphore(%run_scoped3A : memref<!tpu.dma_semaphore, #tpu.memory_space<semaphore_mem>>) src(%dma_wait3A_179 : memref<128xi32, #tpu.memory_space<hbm>>) dst(%arg10 : memref<128xi32, #tpu.memory_space<vmem>>)
      tpu.yield
    }) : () -> ()
    %dma_start3A_152 = arith.constant 0 : i32
    %dma_start3A_153 = arith.constant 0 : i32
    %dma_start3A_154 = tpu.memref_slice %arg15[%dma_start3A_152, %dma_start3A_153] : memref<10112x128xf32, #tpu.memory_space<vmem_shared>> -> memref<10112x128xf32, #tpu.memory_space<vmem_shared>>
    tpu.enqueue_indirect_dma source(%dma_start3A_154 : memref<10112x128xf32, #tpu.memory_space<vmem_shared>>) target(%arg13 : memref<128x128xf32, #tpu.memory_space<vmem>>) offsets(%arg10 : memref<128xi32, #tpu.memory_space<vmem>>) semaphore(%arg16 : memref<!tpu.dma_semaphore, #tpu.memory_space<semaphore_mem>>)
    %dma_wait3A_155 = arith.constant 0 : i32
    %dma_wait3A_156 = arith.constant 0 : i32
    %dma_wait3A_157 = tpu.memref_slice %arg15[%dma_wait3A_155, %dma_wait3A_156] : memref<10112x128xf32, #tpu.memory_space<vmem_shared>> -> memref<10112x128xf32, #tpu.memory_space<vmem_shared>>
    tpu.wait_indirect_dma semaphore(%arg16 : memref<!tpu.dma_semaphore, #tpu.memory_space<semaphore_mem>>) src(%dma_wait3A_157 : memref<10112x128xf32, #tpu.memory_space<vmem_shared>>) dst(%arg13 : memref<128x128xf32, #tpu.memory_space<vmem>>)
    "tpu.region"() ({
      %run_scoped3A = tpu.sem_alloc : memref<!tpu.dma_semaphore, #tpu.memory_space<semaphore_mem>>
      %dma_start3A_176 = arith.constant 0 : i32
      %dma_start3A_177 = tpu.memref_slice %arg7[%arg0, %multiple_of3A_151, %dma_start3A_176] : memref<2x10112x128xf32, #tpu.memory_space<hbm>> -> memref<1x128x128xf32, #tpu.memory_space<hbm>>
      %dma_start3A_178 = tpu.memref_squeeze %dma_start3A_177 : memref<1x128x128xf32, #tpu.memory_space<hbm>> -> memref<128x128xf32, #tpu.memory_space<hbm>>
      %dma_start3A_179 = arith.constant 0 : i32
      %dma_start3A_180 = tpu.memref_slice %arg7[%arg0, %multiple_of3A_151, %dma_start3A_179] : memref<2x10112x128xf32, #tpu.memory_space<hbm>> -> memref<1x128x128xf32, #tpu.memory_space<hbm>>
      %dma_start3A_181 = tpu.memref_squeeze %dma_start3A_180 : memref<1x128x128xf32, #tpu.memory_space<hbm>> -> memref<128x128xf32, #tpu.memory_space<hbm>>
      tpu.enqueue_dma source(%arg13 : memref<128x128xf32, #tpu.memory_space<vmem>>) target(%dma_start3A_181 : memref<128x128xf32, #tpu.memory_space<hbm>>) target_semaphore(%run_scoped3A : memref<!tpu.dma_semaphore, #tpu.memory_space<semaphore_mem>>)
      %dma_wait3A_182 = arith.constant 0 : i32
      %dma_wait3A_183 = tpu.memref_slice %arg7[%arg0, %multiple_of3A_151, %dma_wait3A_182] : memref<2x10112x128xf32, #tpu.memory_space<hbm>> -> memref<1x128x128xf32, #tpu.memory_space<hbm>>
      %dma_wait3A_184 = tpu.memref_squeeze %dma_wait3A_183 : memref<1x128x128xf32, #tpu.memory_space<hbm>> -> memref<128x128xf32, #tpu.memory_space<hbm>>
      %dma_wait3A_185 = arith.constant 0 : i32
      %dma_wait3A_186 = tpu.memref_slice %arg7[%arg0, %multiple_of3A_151, %dma_wait3A_185] : memref<2x10112x128xf32, #tpu.memory_space<hbm>> -> memref<1x128x128xf32, #tpu.memory_space<hbm>>
      %dma_wait3A_187 = tpu.memref_squeeze %dma_wait3A_186 : memref<1x128x128xf32, #tpu.memory_space<hbm>> -> memref<128x128xf32, #tpu.memory_space<hbm>>
      tpu.wait_dma2 semaphore(%run_scoped3A : memref<!tpu.dma_semaphore, #tpu.memory_space<semaphore_mem>>) src(%arg13 : memref<128x128xf32, #tpu.memory_space<vmem>>) dst(%dma_wait3A_187 : memref<128x128xf32, #tpu.memory_space<hbm>>)
      tpu.yield
    }) : () -> ()
    %add3A_158 = arith.constant 384 : i32
    %add3A_159 = arith.addi %mul3A_10, %add3A_158 : i32
    %multiple_of3A_160 = tpu.assume_multiple %add3A_159, 8 : i32
    "tpu.region"() ({
      %run_scoped3A = tpu.sem_alloc : memref<!tpu.dma_semaphore, #tpu.memory_space<semaphore_mem>>
      %dma_start3A_176 = tpu.memref_slice %arg5[%multiple_of3A_160] : memref<10112xi32, #tpu.memory_space<hbm>> -> memref<128xi32, #tpu.memory_space<hbm>>
      %dma_start3A_177 = tpu.memref_slice %arg5[%multiple_of3A_160] : memref<10112xi32, #tpu.memory_space<hbm>> -> memref<128xi32, #tpu.memory_space<hbm>>
      tpu.enqueue_dma source(%dma_start3A_177 : memref<128xi32, #tpu.memory_space<hbm>>) target(%arg10 : memref<128xi32, #tpu.memory_space<vmem>>) target_semaphore(%run_scoped3A : memref<!tpu.dma_semaphore, #tpu.memory_space<semaphore_mem>>)
      %dma_wait3A_178 = tpu.memref_slice %arg5[%multiple_of3A_160] : memref<10112xi32, #tpu.memory_space<hbm>> -> memref<128xi32, #tpu.memory_space<hbm>>
      %dma_wait3A_179 = tpu.memref_slice %arg5[%multiple_of3A_160] : memref<10112xi32, #tpu.memory_space<hbm>> -> memref<128xi32, #tpu.memory_space<hbm>>
      tpu.wait_dma2 semaphore(%run_scoped3A : memref<!tpu.dma_semaphore, #tpu.memory_space<semaphore_mem>>) src(%dma_wait3A_179 : memref<128xi32, #tpu.memory_space<hbm>>) dst(%arg10 : memref<128xi32, #tpu.memory_space<vmem>>)
      tpu.yield
    }) : () -> ()
    %dma_start3A_161 = arith.constant 0 : i32
    %dma_start3A_162 = arith.constant 0 : i32
    %dma_start3A_163 = tpu.memref_slice %arg15[%dma_start3A_161, %dma_start3A_162] : memref<10112x128xf32, #tpu.memory_space<vmem_shared>> -> memref<10112x128xf32, #tpu.memory_space<vmem_shared>>
    tpu.enqueue_indirect_dma source(%dma_start3A_163 : memref<10112x128xf32, #tpu.memory_space<vmem_shared>>) target(%arg13 : memref<128x128xf32, #tpu.memory_space<vmem>>) offsets(%arg10 : memref<128xi32, #tpu.memory_space<vmem>>) semaphore(%arg16 : memref<!tpu.dma_semaphore, #tpu.memory_space<semaphore_mem>>)
    %dma_wait3A_164 = arith.constant 0 : i32
    %dma_wait3A_165 = arith.constant 0 : i32
    %dma_wait3A_166 = tpu.memref_slice %arg15[%dma_wait3A_164, %dma_wait3A_165] : memref<10112x128xf32, #tpu.memory_space<vmem_shared>> -> memref<10112x128xf32, #tpu.memory_space<vmem_shared>>
    tpu.wait_indirect_dma semaphore(%arg16 : memref<!tpu.dma_semaphore, #tpu.memory_space<semaphore_mem>>) src(%dma_wait3A_166 : memref<10112x128xf32, #tpu.memory_space<vmem_shared>>) dst(%arg13 : memref<128x128xf32, #tpu.memory_space<vmem>>)
    "tpu.region"() ({
      %run_scoped3A = tpu.sem_alloc : memref<!tpu.dma_semaphore, #tpu.memory_space<semaphore_mem>>
      %dma_start3A_176 = arith.constant 0 : i32
      %dma_start3A_177 = tpu.memref_slice %arg7[%arg0, %multiple_of3A_160, %dma_start3A_176] : memref<2x10112x128xf32, #tpu.memory_space<hbm>> -> memref<1x128x128xf32, #tpu.memory_space<hbm>>
      %dma_start3A_178 = tpu.memref_squeeze %dma_start3A_177 : memref<1x128x128xf32, #tpu.memory_space<hbm>> -> memref<128x128xf32, #tpu.memory_space<hbm>>
      %dma_start3A_179 = arith.constant 0 : i32
      %dma_start3A_180 = tpu.memref_slice %arg7[%arg0, %multiple_of3A_160, %dma_start3A_179] : memref<2x10112x128xf32, #tpu.memory_space<hbm>> -> memref<1x128x128xf32, #tpu.memory_space<hbm>>
      %dma_start3A_181 = tpu.memref_squeeze %dma_start3A_180 : memref<1x128x128xf32, #tpu.memory_space<hbm>> -> memref<128x128xf32, #tpu.memory_space<hbm>>
      tpu.enqueue_dma source(%arg13 : memref<128x128xf32, #tpu.memory_space<vmem>>) target(%dma_start3A_181 : memref<128x128xf32, #tpu.memory_space<hbm>>) target_semaphore(%run_scoped3A : memref<!tpu.dma_semaphore, #tpu.memory_space<semaphore_mem>>)
      %dma_wait3A_182 = arith.constant 0 : i32
      %dma_wait3A_183 = tpu.memref_slice %arg7[%arg0, %multiple_of3A_160, %dma_wait3A_182] : memref<2x10112x128xf32, #tpu.memory_space<hbm>> -> memref<1x128x128xf32, #tpu.memory_space<hbm>>
      %dma_wait3A_184 = tpu.memref_squeeze %dma_wait3A_183 : memref<1x128x128xf32, #tpu.memory_space<hbm>> -> memref<128x128xf32, #tpu.memory_space<hbm>>
      %dma_wait3A_185 = arith.constant 0 : i32
      %dma_wait3A_186 = tpu.memref_slice %arg7[%arg0, %multiple_of3A_160, %dma_wait3A_185] : memref<2x10112x128xf32, #tpu.memory_space<hbm>> -> memref<1x128x128xf32, #tpu.memory_space<hbm>>
      %dma_wait3A_187 = tpu.memref_squeeze %dma_wait3A_186 : memref<1x128x128xf32, #tpu.memory_space<hbm>> -> memref<128x128xf32, #tpu.memory_space<hbm>>
      tpu.wait_dma2 semaphore(%run_scoped3A : memref<!tpu.dma_semaphore, #tpu.memory_space<semaphore_mem>>) src(%arg13 : memref<128x128xf32, #tpu.memory_space<vmem>>) dst(%dma_wait3A_187 : memref<128x128xf32, #tpu.memory_space<hbm>>)
      tpu.yield
    }) : () -> ()
    %add3A_167 = arith.constant 504 : i32
    %add3A_168 = arith.addi %mul3A_10, %add3A_167 : i32
    %multiple_of3A_169 = tpu.assume_multiple %add3A_168, 8 : i32
    "tpu.region"() ({
      %run_scoped3A = tpu.sem_alloc : memref<!tpu.dma_semaphore, #tpu.memory_space<semaphore_mem>>
      %dma_start3A_176 = tpu.memref_slice %arg5[%multiple_of3A_169] : memref<10112xi32, #tpu.memory_space<hbm>> -> memref<128xi32, #tpu.memory_space<hbm>>
      %dma_start3A_177 = tpu.memref_slice %arg5[%multiple_of3A_169] : memref<10112xi32, #tpu.memory_space<hbm>> -> memref<128xi32, #tpu.memory_space<hbm>>
      tpu.enqueue_dma source(%dma_start3A_177 : memref<128xi32, #tpu.memory_space<hbm>>) target(%arg10 : memref<128xi32, #tpu.memory_space<vmem>>) target_semaphore(%run_scoped3A : memref<!tpu.dma_semaphore, #tpu.memory_space<semaphore_mem>>)
      %dma_wait3A_178 = tpu.memref_slice %arg5[%multiple_of3A_169] : memref<10112xi32, #tpu.memory_space<hbm>> -> memref<128xi32, #tpu.memory_space<hbm>>
      %dma_wait3A_179 = tpu.memref_slice %arg5[%multiple_of3A_169] : memref<10112xi32, #tpu.memory_space<hbm>> -> memref<128xi32, #tpu.memory_space<hbm>>
      tpu.wait_dma2 semaphore(%run_scoped3A : memref<!tpu.dma_semaphore, #tpu.memory_space<semaphore_mem>>) src(%dma_wait3A_179 : memref<128xi32, #tpu.memory_space<hbm>>) dst(%arg10 : memref<128xi32, #tpu.memory_space<vmem>>)
      tpu.yield
    }) : () -> ()
    %dma_start3A_170 = arith.constant 0 : i32
    %dma_start3A_171 = arith.constant 0 : i32
    %dma_start3A_172 = tpu.memref_slice %arg15[%dma_start3A_170, %dma_start3A_171] : memref<10112x128xf32, #tpu.memory_space<vmem_shared>> -> memref<10112x128xf32, #tpu.memory_space<vmem_shared>>
    tpu.enqueue_indirect_dma source(%dma_start3A_172 : memref<10112x128xf32, #tpu.memory_space<vmem_shared>>) target(%arg13 : memref<128x128xf32, #tpu.memory_space<vmem>>) offsets(%arg10 : memref<128xi32, #tpu.memory_space<vmem>>) semaphore(%arg16 : memref<!tpu.dma_semaphore, #tpu.memory_space<semaphore_mem>>)
    %dma_wait3A_173 = arith.constant 0 : i32
    %dma_wait3A_174 = arith.constant 0 : i32
    %dma_wait3A_175 = tpu.memref_slice %arg15[%dma_wait3A_173, %dma_wait3A_174] : memref<10112x128xf32, #tpu.memory_space<vmem_shared>> -> memref<10112x128xf32, #tpu.memory_space<vmem_shared>>
    tpu.wait_indirect_dma semaphore(%arg16 : memref<!tpu.dma_semaphore, #tpu.memory_space<semaphore_mem>>) src(%dma_wait3A_175 : memref<10112x128xf32, #tpu.memory_space<vmem_shared>>) dst(%arg13 : memref<128x128xf32, #tpu.memory_space<vmem>>)
    "tpu.region"() ({
      %run_scoped3A = tpu.sem_alloc : memref<!tpu.dma_semaphore, #tpu.memory_space<semaphore_mem>>
      %dma_start3A_176 = arith.constant 0 : i32
      %dma_start3A_177 = tpu.memref_slice %arg7[%arg0, %multiple_of3A_169, %dma_start3A_176] : memref<2x10112x128xf32, #tpu.memory_space<hbm>> -> memref<1x128x128xf32, #tpu.memory_space<hbm>>
      %dma_start3A_178 = tpu.memref_squeeze %dma_start3A_177 : memref<1x128x128xf32, #tpu.memory_space<hbm>> -> memref<128x128xf32, #tpu.memory_space<hbm>>
      %dma_start3A_179 = arith.constant 0 : i32
      %dma_start3A_180 = tpu.memref_slice %arg7[%arg0, %multiple_of3A_169, %dma_start3A_179] : memref<2x10112x128xf32, #tpu.memory_space<hbm>> -> memref<1x128x128xf32, #tpu.memory_space<hbm>>
      %dma_start3A_181 = tpu.memref_squeeze %dma_start3A_180 : memref<1x128x128xf32, #tpu.memory_space<hbm>> -> memref<128x128xf32, #tpu.memory_space<hbm>>
      tpu.enqueue_dma source(%arg13 : memref<128x128xf32, #tpu.memory_space<vmem>>) target(%dma_start3A_181 : memref<128x128xf32, #tpu.memory_space<hbm>>) target_semaphore(%run_scoped3A : memref<!tpu.dma_semaphore, #tpu.memory_space<semaphore_mem>>)
      %dma_wait3A_182 = arith.constant 0 : i32
      %dma_wait3A_183 = tpu.memref_slice %arg7[%arg0, %multiple_of3A_169, %dma_wait3A_182] : memref<2x10112x128xf32, #tpu.memory_space<hbm>> -> memref<1x128x128xf32, #tpu.memory_space<hbm>>
      %dma_wait3A_184 = tpu.memref_squeeze %dma_wait3A_183 : memref<1x128x128xf32, #tpu.memory_space<hbm>> -> memref<128x128xf32, #tpu.memory_space<hbm>>
      %dma_wait3A_185 = arith.constant 0 : i32
      %dma_wait3A_186 = tpu.memref_slice %arg7[%arg0, %multiple_of3A_169, %dma_wait3A_185] : memref<2x10112x128xf32, #tpu.memory_space<hbm>> -> memref<1x128x128xf32, #tpu.memory_space<hbm>>
      %dma_wait3A_187 = tpu.memref_squeeze %dma_wait3A_186 : memref<1x128x128xf32, #tpu.memory_space<hbm>> -> memref<128x128xf32, #tpu.memory_space<hbm>>
      tpu.wait_dma2 semaphore(%run_scoped3A : memref<!tpu.dma_semaphore, #tpu.memory_space<semaphore_mem>>) src(%arg13 : memref<128x128xf32, #tpu.memory_space<vmem>>) dst(%dma_wait3A_187 : memref<128x128xf32, #tpu.memory_space<hbm>>)
      tpu.yield
    }) : () -> ()
    return
  }
}

module attributes {stable_mosaic.version = 14 : i64} {
  func.func @body(%arg0: i32, %arg1: memref<2x632x128xf32, #tpu.memory_space<vmem>>, %arg2: memref<2x632x128xf32, #tpu.memory_space<vmem>>, %arg3: memref<128x128xf32, #tpu.memory_space<vmem>>, %arg4: memref<1x128xf32, #tpu.memory_space<vmem>>, %arg5: memref<632x128xf32, #tpu.memory_space<vmem>>) attributes {dimension_semantics = [#tpu.dimension_semantics<arbitrary>], iteration_bounds = array<i64: 16>, scalar_prefetch = 0 : i64, scratch_operands = 0 : i64, tpu.core_type = #tpu.core_type<tc>, window_params = [{transform_indices = @transform_0, window_bounds = array<i64: 2, 632, 128>}, {transform_indices = @transform_1, window_bounds = array<i64: 2, 632, 128>}, {pipeline_mode = #tpu.pipeline_mode<synchronous>, transform_indices = @transform_2, window_bounds = array<i64: 128, 128>}, {pipeline_mode = #tpu.pipeline_mode<synchronous>, transform_indices = @transform_3, window_bounds = array<i64: 1, 128>}, {transform_indices = @transform_4, window_bounds = array<i64: 632, 128>}]} {
    %get3A = arith.constant 0 : index
    %get3A_0 = arith.constant 0 : index
    %get3A_1 = arith.constant 0 : index
    %get3A_2 = vector.load %arg1[%get3A, %get3A_0, %get3A_1] : memref<2x632x128xf32, #tpu.memory_space<vmem>>, vector<1x632x128xf32>
    %get3A_3 = vector.shape_cast %get3A_2 : vector<1x632x128xf32> to vector<632x128xf32>
    %get3A_4 = arith.constant 1 : index
    %get3A_5 = arith.constant 0 : index
    %get3A_6 = arith.constant 0 : index
    %get3A_7 = vector.load %arg1[%get3A_4, %get3A_5, %get3A_6] : memref<2x632x128xf32, #tpu.memory_space<vmem>>, vector<1x632x128xf32>
    %get3A_8 = vector.shape_cast %get3A_7 : vector<1x632x128xf32> to vector<632x128xf32>
    %add3A = arith.addf %get3A_3, %get3A_8 : vector<632x128xf32>
    %get3A_9 = arith.constant 0 : index
    %get3A_10 = arith.constant 0 : index
    %get3A_11 = arith.constant 0 : index
    %get3A_12 = vector.load %arg2[%get3A_9, %get3A_10, %get3A_11] : memref<2x632x128xf32, #tpu.memory_space<vmem>>, vector<1x632x1xf32>
    %get3A_13 = vector.shape_cast %get3A_12 : vector<1x632x1xf32> to vector<632x1xf32>
    %get3A_14 = arith.constant 1 : index
    %get3A_15 = arith.constant 0 : index
    %get3A_16 = arith.constant 0 : index
    %get3A_17 = vector.load %arg2[%get3A_14, %get3A_15, %get3A_16] : memref<2x632x128xf32, #tpu.memory_space<vmem>>, vector<1x632x1xf32>
    %get3A_18 = vector.shape_cast %get3A_17 : vector<1x632x1xf32> to vector<632x1xf32>
    %add3A_19 = arith.addf %get3A_13, %get3A_18 : vector<632x1xf32>
    %div3A = vector.broadcast %add3A_19 : vector<632x1xf32> to vector<632x128xf32>
    %div3A_20 = arith.divf %add3A, %div3A : vector<632x128xf32>
    %get3A_21 = arith.constant 0 : index
    %get3A_22 = arith.constant 0 : index
    %get3A_23 = vector.load %arg3[%get3A_21, %get3A_22] : memref<128x128xf32, #tpu.memory_space<vmem>>, vector<128x128xf32>
    %dot_general3A = arith.constant dense<0.000000e+00> : vector<632x128xf32>
    %dot_general3A_24 = tpu.matmul %div3A_20, %get3A_23, %dot_general3A {dimension_numbers = #tpu.dot_dimension_numbers<[1], [1], [0], [0], [0, 0, 1, 0], [], []>, transpose_lhs_hint = false} : vector<632x128xf32>, vector<128x128xf32>, vector<632x128xf32> -> vector<632x128xf32>
    %get3A_25 = arith.constant 0 : index
    %get3A_26 = arith.constant 0 : index
    %get3A_27 = vector.load %arg4[%get3A_25, %get3A_26] : memref<1x128xf32, #tpu.memory_space<vmem>>, vector<1x128xf32>
    %add3A_28 = vector.broadcast %get3A_27 : vector<1x128xf32> to vector<632x128xf32>
    %add3A_29 = arith.addf %dot_general3A_24, %add3A_28 : vector<632x128xf32>
    %swap3A = arith.constant 0 : index
    %swap3A_30 = arith.constant 0 : index
    %swap3A_31 = vector.load %arg5[%swap3A, %swap3A_30] : memref<632x128xf32, #tpu.memory_space<vmem>>, vector<632x128xf32>
    tpu.vector_store %arg5[%swap3A, %swap3A_30], %add3A_29 {strides = array<i32>} : memref<632x128xf32, #tpu.memory_space<vmem>>, vector<632x128xf32>,
    return
  }
  func.func @transform_0(%arg0: i32) -> (i32, i32, i32) {
    %c0_i32 = arith.constant 0 : i32
    %c0_i32_0 = arith.constant 0 : i32
    %c0_i32_1 = arith.constant 0 : i32
    return %c0_i32, %arg0, %c0_i32_0 : i32, i32, i32
  }
  func.func @transform_1(%arg0: i32) -> (i32, i32, i32) {
    %c0_i32 = arith.constant 0 : i32
    %c0_i32_0 = arith.constant 0 : i32
    %c0_i32_1 = arith.constant 0 : i32
    return %c0_i32, %arg0, %c0_i32_0 : i32, i32, i32
  }
  func.func @transform_2(%arg0: i32) -> (i32, i32) {
    %c0_i32 = arith.constant 0 : i32
    %c0_i32_0 = arith.constant 0 : i32
    %c0_i32_1 = arith.constant 0 : i32
    return %c0_i32, %c0_i32_0 : i32, i32
  }
  func.func @transform_3(%arg0: i32) -> (i32, i32) {
    %c0_i32 = arith.constant 0 : i32
    %c0_i32_0 = arith.constant 0 : i32
    %c0_i32_1 = arith.constant 0 : i32
    return %c0_i32, %c0_i32_0 : i32, i32
  }
  func.func @transform_4(%arg0: i32) -> (i32, i32) {
    %c0_i32 = arith.constant 0 : i32
    %c0_i32_0 = arith.constant 0 : i32
    return %arg0, %c0_i32 : i32, i32
  }
}

</mosaic_0001>

<sc_bundles>
// kernel: kernel.4.cloned.1.call-start
scs
__scs_entry_jumppad:
0x0: {  	(pc) =	sbr.rel $0x88, $3  }
0x1: {  	(tag) =	ssettag $0x0;
	lr =	simm.s32 $0x1  }
0x2: {  	[smem:$0x3F9D] =	sst lr;
	_ =	strace $0xD0000000  }
0x3: {  	_ = 	snop  }
0x4: {  	_ = 	snop  }
0x5: {  	_ = 	snop  }
0x6: {  	_ = 	snop  }
0x7: {  	_ = 	snop  }
__scs_overlays_trampoline_lowered:
0x8: {  	[smem:$0x3FAC] =	sst s0  }
0x9: {  	[smem:$0x3FAD] =	sst s1  }
0xa: {  	[smem:$0x3FAE] =	sst s2  }
0xb: {  	[smem:$0x3FAF] =	sst s3  }
0xc: {  	[smem:$0x3FB0] =	sst s4  }
0xd: {  	[smem:$0x3FB1] =	sst s5  }
0xe: {  	[smem:$0x3FB2] =	sst s6  }
0xf: {  	[smem:$0x3FB3] =	sst s7  }
0x10: {  	[smem:$0x3FB4] =	sst s8  }
0x11: {  	[smem:$0x3FB5] =	sst s9;
	s0 =	simm.s32 @!p0 $0x0  }
0x12: {  	s1 =	sld [smem:$0x3F9B];
	s0 =	simm.s32 @p0 $0x1  }
0x13: {  	[smem:$0x3FB6] =	sst s0;
	s0 =	simm.s32 @!p1 $0x0  }
0x14: {  	s2 =	sld [smem:$0x3F9A];
	s0 =	simm.s32 @p1 $0x1  }
0x15: {  	[smem:$0x3FB7] =	sst s0;
	s0 =	simm.s32 @!p2 $0x0  }
0x16: {  	s3 =	sld [smem:$0x3FDB];
	s0 =	simm.s32 @p2 $0x1  }
0x17: {  	s4 =	simm.s32 $0x1BF5;
	[smem:$0x3FB9] =	sst s0  }
0x18: {  	s0 =	sld [smem:$0x3F9C];
	_ =	swait.ge [sflag:s4], $0x0  }
0x19: {  	s7 =	sld [smem:$0x3F9D]  }
0x1a: {  	s8 =	sadd.s32 $0xFFFFE003, lr  }
0x1b: {  	s9 =	sadd.s32 $0xFFFFFEF7, lr;
	s5 =	simm.s32 $0xFFFFFFFF;
	p2 =	slt.u32 s8, $0xFFFFF086  }
0x1c: {  	p1 =	slt.u32 s9, $0xF7A;
	s5 =	simm.s32 @!p2 $0x0  }
0x1d: {  	s5 =	simm.s32 @p1 $0x1;
	p0 =	seq.s32 s7, s2  }
0x1e: {  	s7 =	smul.u32 @!p0 $0xF7A, s2;
	p2 =	seq.s32 @!p0 s5, $0x0  }
0x1f: {  	s9 =	smul.u32 $0xF7A, s1;
	s8 =	simm.s32 @!p0 $0x1BF5;
	p2 =	por !p2, p0  }
0x20: {  	[sflag:s8] =	ssyncset.s32 @!p0 $0xFFFFF086;
	s6 =	sadd.s32 @!p0 s3, s7;
	s7 =	simm.s32 @!p0 $0x108  }
0x21: {  	s3 =	sadd.s32 s3, s9;
	s6 =	sadd.s32 @!p0 $0x88, s6;
	s7 =	simm.s32 @p2 $0x1082  }
0x22: {  	[simem:s7], [sflag:s8] =	dma.local @!p0 [hbm:s6], $0xF7A  }
0x23: {  	s9 =	sor.u32 $0xD0000000, s2;
	s6 =	simm.s32 $0x108;
	_ =	swait.ge @!p0 [sflag:s8], $0x0  }
0x24: {  	s3 =	sadd.s32 $0x88, s3;
	s6 =	simm.s32 @!p1 $0x1082;
	[sflag:s4] =	ssyncset.s32 $0xFFFFF086  }
0x25: {  	[simem:s6], [sflag:s4] =	dma.local [hbm:s3], $0xF7A  }
0x26: {  	[smem:$0x3F9D] =	sst s1;
	(tag) =	ssettag s2;
	_ =	strace s9  }
0x27: {  	s1 =	sld [smem:$0x3FAD]  }
0x28: {  	s2 =	sld [smem:$0x3FAE]  }
0x29: {  	s4 =	sld [smem:$0x3FB0]  }
0x2a: {  	p0 =	seq.s32 s5, $0x0;
	s5 =	sld [smem:$0x3FB1]  }
0x2b: {  	s6 =	sld [smem:$0x3FB2]  }
0x2c: {  	s7 =	sld [smem:$0x3FB3]  }
0x2d: {  	s3 =	simm.s32 $0x108;
	s8 =	sld [smem:$0x3FB4]  }
0x2e: {  	s3 =	simm.s32 @!p0 $0x1082;
	s9 =	sld [smem:$0x3FB5]  }
0x2f: {  	lr =	sadd.s32 s0, s3;
	s0 =	sld [smem:$0x3FAC]  }
0x30: {  	s3 =	sld [smem:$0x3FAF]  }
0x31: {  	[smem:$0x3FB8] =	sst s10  }
0x32: {  	s10 =	sld [smem:$0x3FB6];
	_ =	sdelay $0x3  }
0x33: {  	p0 =	seq.s32 s10, $0x1;
	s10 =	sld [smem:$0x3FB8];
	_ =	sdelay $0x3  }
0x34: {  	[smem:$0x3FB8] =	sst s10  }
0x35: {  	s10 =	sld [smem:$0x3FB7];
	_ =	sdelay $0x3  }
0x36: {  	p1 =	seq.s32 s10, $0x1;
	s10 =	sld [smem:$0x3FB8];
	_ =	sdelay $0x3  }
0x37: {  	[smem:$0x3FB8] =	sst s10  }
0x38: {  	s10 =	sld [smem:$0x3FB9]  }
0x39: {  	_ = 	snop;
	(pc) =	sbr.ind lr, $3  }
0x3a: {  	_ = 	snop  }
0x3b: {  	_ = 	snop  }
0x3c: {  	p2 =	seq.s32 s10, $0x1;
	s10 =	sld [smem:$0x3FB8]  }
0x3d: {  	_ =	shalt  }
0x3e: {  	_ =	shalt  }
0x3f: {  	_ =	shalt  }
0x40: {  	_ =	shalt  }
0x41: {  	_ =	shalt  }
0x42: {  	_ =	shalt  }
0x43: {  	_ =	shalt  }
0x44: {  	_ =	shalt  }
0x45: {  	_ =	shalt  }
0x46: {  	_ =	shalt  }
0x47: {  	_ =	shalt  }
0x48: {  	_ =	shalt  }
0x49: {  	_ =	shalt  }
0x4a: {  	_ =	shalt  }
0x4b: {  	_ =	shalt  }
0x4c: {  	_ =	shalt  }
0x4d: {  	_ =	shalt  }
0x4e: {  	_ =	shalt  }
0x4f: {  	_ =	shalt  }
0x50: {  	_ =	shalt  }
0x51: {  	_ =	shalt  }
0x52: {  	_ =	shalt  }
0x53: {  	_ =	shalt  }
0x54: {  	_ =	shalt  }
0x55: {  	_ =	shalt  }
0x56: {  	_ =	shalt  }
0x57: {  	_ =	shalt  }
0x58: {  	_ =	shalt  }
0x59: {  	_ =	shalt  }
0x5a: {  	_ =	shalt  }
0x5b: {  	_ =	shalt  }
0x5c: {  	_ =	shalt  }
0x5d: {  	_ =	shalt  }
0x5e: {  	_ =	shalt  }
0x5f: {  	_ =	shalt  }
0x60: {  	_ =	shalt  }
0x61: {  	_ =	shalt  }
0x62: {  	_ =	shalt  }
0x63: {  	_ =	shalt  }
0x64: {  	_ =	shalt  }
0x65: {  	_ =	shalt  }
0x66: {  	_ =	shalt  }
0x67: {  	_ =	shalt  }
0x68: {  	_ =	shalt  }
0x69: {  	_ =	shalt  }
0x6a: {  	_ =	shalt  }
0x6b: {  	_ =	shalt  }
0x6c: {  	_ =	shalt  }
0x6d: {  	_ =	shalt  }
0x6e: {  	_ =	shalt  }
0x6f: {  	_ =	shalt  }
0x70: {  	_ =	shalt  }
0x71: {  	_ =	shalt  }
0x72: {  	_ =	shalt  }
0x73: {  	_ =	shalt  }
0x74: {  	_ =	shalt  }
0x75: {  	_ =	shalt  }
0x76: {  	_ =	shalt  }
0x77: {  	_ =	shalt  }
0x78: {  	_ =	shalt  }
0x79: {  	_ =	shalt  }
0x7a: {  	_ =	shalt  }
0x7b: {  	_ =	shalt  }
0x7c: {  	_ =	shalt  }
0x7d: {  	_ =	shalt  }
0x7e: {  	_ =	shalt  }
0x7f: {  	_ =	shalt  }
0x80: {  	_ =	shalt  }
0x81: {  	_ =	shalt  }
0x82: {  	_ =	shalt  }
0x83: {  	_ =	shalt  }
0x84: {  	_ =	shalt  }
0x85: {  	_ =	shalt  }
0x86: {  	_ =	shalt  }
0x87: {  	_ =	shalt  }
.Lfunc_end0:
.L_simem_size_0:
called_computation_lowered:
.L_overlay_start_0:
0x88: {  	s2 =	sld [smem:$0x3FD9]  }
0x89: {  	s3 =	sld [smem:$0x3FFE];
	_ =	sdelay $0x1  }
0x8a: {  	s1 =	srdreg.scid  }
0x8b: {  	s0 =	sand.u32 $0x1, s1  }
0x8c: {  	s17 =	sshll.u32 s0, $0xA;
	s2 =	sadd.s32 s3, s2  }
0x8d: {  	s2 =	sadd.s32 s2, s17  }
0x8e: {  	[smem:$0x3FC4] =	sst s2  }
0x8f: {  	_ = 	snop  }
0x90: {  	s2 =	sld [smem:$0x3FC9]  }
0x91: {  	s18 =	sld [smem:$0x3FD0];
	(tm) =	ssettm $0x1  }
0x92: {  	s4 =	sld [smem:$0x3FFB];
	_ =	sdelay $0x3  }
0x93: {  	_ =	strace s4  }
0x94: {  	s4 =	sld [smem:$0x3FFC];
	_ =	sdelay $0x3  }
0x95: {  	_ =	strace s4  }
0x96: {  	s4 =	sld [smem:$0x3FFD];
	_ =	sdelay $0x3  }
0x97: {  	_ =	strace s4  }
0x98: {  	_ =	strace $0x8FFFFFFF  }
0x99: {  	s19 =	sld [smem:$0x3FDB];
	_ =	sdelay $0x1  }
0x9a: {  	s5 =	simm.s32 $_scs_section_size  }
0x9b: {  	s6 =	simm.s32 $_size__tile_overlayer_lowered;
	s7 =	simm.s32 $_tile_overlayer_lowered  }
0x9c: {  	s22 =	simm.s32 $0x1BFF;
	s21 =	sshll.u32 s7, $0x1;
	s4 =	sadd.s32 s5, s19  }
0x9d: {  	s8 =	simm.s32 $0x0;
	s20 =	sshll.u32 s6, $0x1;
	s6 =	sadd.s32 s21, s4  }
0x9e: {  	[timem:s8], [sflag:s22] =	dma.local [hbm:s6], s20  }
0x9f: {  	_ =	swait.ge [sflag:s22], s20  }
0xa0: {  	s5 =	ssub.s32 $0x0, s20;
	[sflag:s22] =	ssyncset.done $0x0  }
0xa1: {  	[sflag:s22] =	ssyncadd.s32 s5;
	_ =	sdelay $0x1  }
0xa2: {  	s23 =	simm.s32 $0x1B8B  }
0xa3: {  	_ =	swait.ge [sflag:s23], $0x1  }
0xa4: {  	[sflag:s23] =	ssyncset.done $0x0  }
0xa5: {  	s25 =	simm.s32 $0x1B8E;
	s24 =	sld [smem:$0x3FFE];
	[sflag:s23] =	ssyncadd.s32 $0xFFFFFFFF  }
0xa6: {  	s26 =	simm.s32 $execute0_lowered;
	[smem:$0x3FD2] =	sst s25  }
0xa7: {  	s6 =	sshll.u32 s26, $0x1;
	_ =	strace $0x80000046;
	[dreg:$0x1] =	wrdreg $0xFFFFFFFF  }
0xa8: {  	s28 =	simm.s32 $_size_execute0_lowered;
	s4 =	sadd.s32 s4, s6;
	[dreg:$0x0] =	wrdreg $0x0  }
0xa9: {  	s6 =	sshll.u32 s28, $0x1;
	[dreg:$0x2] =	wrdreg s4  }
0xaa: {  	[dreg:$0x3] =	wrdreg s6  }
0xab: {  	[dreg:$0x4] =	wrdreg $0xC0  }
0xac: {  	_ =	task [dreg:s8], $0x5FFFF  }
0xad: {  	[dreg:$0x1] =	wrdreg $0xFFFFFFFF  }
0xae: {  	[dreg:$0x0] =	wrdreg $0x60  }
0xaf: {  	[dreg:$0x2] =	wrdreg s24  }
0xb0: {  	[dreg:$0x3] =	wrdreg s18  }
0xb1: {  	[dreg:$0x4] =	wrdreg s2  }
0xb2: {  	[dreg:$0x5] =	wrdreg $0x82800  }
0xb3: {  	[dreg:$0x6] =	wrdreg $0x9  }
0xb4: {  	_ =	task.clear_ibuf [dreg:s8], $0x7FFFF;
	_ =	strace $0x90000046  }
0xb5: {  	s29 =	simm.s32 $0x9;
	_ =	strace $0x80000048  }
0xb6: {  	_ =	swait.ge [sflag:s29], $0x1  }
0xb7: {  	[sflag:s29] =	ssyncadd.s32 $0xFFFFFFFF  }
0xb8: {  	_ =	strace $0x90000048  }
0xb9: {  	_ =	sfence  }
0xba: {  	s30 =	sld [smem:$0x0];
	_ =	sdelay $0x2  }
0xbb: {  	s31 =	sshll.u32 s1, $0xD;
	s1 =	sshrl.u32 s1, $0x2  }
0xbc: {  	s3 =	sand.u32 $0x4000, s31;
	s1 =	sadd.s32 s1, s30  }
0xbd: {  	s0 =	sor.u32 s3, s0;
	s1 =	sshll.u32 s1, $0x11  }
0xbe: {  	s0 =	sor.u32 s1, s0  }
0xbf: {  	s0 =	sadd.s32 $0x8F2B, s0  }
0xc0: {  	[sflag:s0] =	ssyncadd.remote.s32 $0x1  }
0xc1: {  	_ =	sfence.sel $0xFFFF  }
0xc2: {  	[dreg:$0x0] =	wrdreg $0xFFFFFFFF;
	(pc) =	sbr.abs _section_cstart, $3  }
0xc3: {  	[dreg:$0x1] =	wrdreg $0xFFFFFFFF  }
0xc4: {  	_ =	task.clear_ibuf [dreg:s8], $0x2FFFF;
	_ =	strace $0x9FFFFFFF  }
0xc5: {  	(tm) =	ssettm $0x7FFFFFFF  }
tec
execute0_lowered:
.L_overlay_start_1:
0x0: {  	(tag) =	ssettag $0x1  }
0x1: {  	s1 =	rddreg [dreg:$0x0]  }
0x2: {  	s0 =	rddreg [dreg:$0x1]  }
0x3: {  	s2 =	rddreg [dreg:$0x2]  }
0x4: {  	s3 =	rddreg [dreg:$0x3];
	s4 =	srdreg.scid  }
0x5: {  	s21 =	stileid.u32;
	s28 =	simm.s32 $0x80;
	s29 =	simm.s32 $0x280  }
0x6: {  	s30 =	simm.s32 $0x1;
	s31 =	simm.s32 $0x180;
	s9 =	sand.u32 $0x1, s4  }
0x7: {  	s8 =	sadd.s32 $0xA400, s1;
	s10 =	smul.u32 $0x278, s21;
	s11 =	sadd.s32 $0xAA00, s1  }
0x8: {  	s12 =	sadd.s32 $0x59A00, s1;
	s24 =	sshll.u32 s21, $0x1;
	s17 =	smul.u32 $0x13C00, s21  }
0x9: {  	s1 =	sadd.s32 $0x600, s1;
	s4 =	ssub.s32 $0x2, s9;
	s16 =	smul.u32 $0x13C000, s9  }
0xa: {  	s5 =	sshrl.u32 s4, $0x1;
	s13 =	sadd.s32 $0x80, s10;
	s25 =	sshrl.u32 s10, $0x3  }
0xb: {  	s14 =	sadd.s32 $0x100, s10;
	s15 =	sadd.s32 $0x180, s10;
	s10 =	sadd.s32 $0x1F8, s10  }
0xc: {  	s22 =	ssub.s32 s4, s5;
	s4 =	sor.u32 s9, s24;
	s6 =	sshrl.u32 s13, $0x3  }
0xd: {  	s26 =	sshrl.u32 s14, $0x3;
	s7 =	sshrl.u32 s15, $0x3;
	s13 =	sshll.u32 s13, $0x7  }
0xe: {  	s17 =	sadd.s32 s17, s16;
	s18 =	sshrl.u32 s10, $0x3;
	s9 =	smul.u32 $0x2710, s9  }
0xf: {  	s24 =	sshll.u32 s14, $0x7;
	s10 =	sshll.u32 s10, $0x7;
	s20 =	smul.u32 $0x2710, s4  }
0x10: {  	s4 =	sadd.s32 s8, s25;
	s5 =	sadd.s32 s8, s6;
	s6 =	sadd.s32 s8, s26  }
0x11: {  	s7 =	sadd.s32 s8, s7;
	s13 =	sadd.s32 s16, s13;
	s17 =	sshrl.u32 s17, $0x3  }
0x12: {  	s8 =	sadd.s32 s8, s18;
	s25 =	sshll.u32 s15, $0x7;
	s10 =	sadd.s32 s16, s10  }
0x13: {  	s22 =	smax.u32 s22, $0x1;
	s19 =	sshrl.u32 s13, $0x3;
	s18 =	sadd.s32 s11, s17  }
0x14: {  	s13 =	sadd.s32 s16, s24;
	s14 =	sadd.s32 s16, s25;
	s10 =	sshrl.u32 s10, $0x3  }
0x15: {  	s25 =	smul.u32 $0x4E20, s21;
	[dreg:$0x5] =	wrdreg s18;
	s23 =	sadd.s32 s11, s19  }
0x16: {  	s26 =	sshrl.u32 s13, $0x3;
	s14 =	sshrl.u32 s14, $0x3;
	s24 =	sadd.s32 s12, s19  }
0x17: {  	s18 =	sadd.s32 s12, s10;
	s19 =	simm.s32 $0x0;
	[dreg:$0x6] =	wrdreg s23  }
0x18: {  	s13 =	sadd.s32 s11, s26;
	s15 =	sadd.s32 s11, s14;
	[dreg:$0xb] =	wrdreg s24  }
0x19: {  	s11 =	sadd.s32 s11, s10;
	s23 =	sadd.s32 s12, s17;
	[smem:$0x7FF] =	sst s19  }
0x1a: {  	s16 =	sadd.s32 s12, s26;
	s17 =	sadd.s32 s12, s14;
	[dreg:$0x7] =	wrdreg s13  }
0x1b: {  	s26 =	sshrl.u32 s20, $0x3;
	s9 =	sadd.s32 s9, s25;
	[dreg:$0x8] =	wrdreg s15  }
0x1c: {  	s25 =	simm.s32 $0x100;
	s10 =	simm.s32 $0x0;
	[dreg:$0x9] =	wrdreg s11  }
0x1d: {  	[dreg:$0xa] =	wrdreg s23;
	s11 =	sadd.s32 $0x4E0, s26;
	s9 =	sshrl.u32 s9, $0x3  }
0x1e: {  	s26 =	simm.s32 $0x2;
	_ =	strace $0x80000047;
	s20 =	sadd.s32 s1, s11  }
0x1f: {  	s21 =	sadd.s32 s0, s11;
	s23 =	sadd.s32 s9, s0;
	s24 =	sadd.s32 s9, s1  }
0x20: {  	v0 =	vimm.f32 $1.000000000e+00;
	v1 =	vimm.f32 $0.0e+00;
	s0 =	simm.s32 $0x200;
	s1 =	simm.s32 $0x10;
	s9 =	simm.s32 $0x4280  }
.LBB2_1:
0x21: {  	s11 =	simm.s32 $0x0;
	s12 =	simm.s32 $0x200  }
.LBB2_2:
0x22: {  	p0 =	sne.s32 s12, $0xFE00;
	[tilespmem:s11+$0x42F0] =	vst v0  }
0x23: {  	[tilespmem:s11+$0x4280] =	vst v0  }
0x24: {  	[tilespmem:s11+$0x4290] =	vst v0  }
.Ltmp0:
0x25: {  	[tilespmem:s11+$0x42A0] =	vst v0;
	(pc) =	sbr.rel @p0 .LBB2_2-.Ltmp0, $4  }
0x26: {  	[tilespmem:s11+$0x42B0] =	vst v0  }
0x27: {  	[tilespmem:s11+$0x42C0] =	vst v0  }
0x28: {  	[tilespmem:s11+$0x42D0] =	vst v0  }
0x29: {  	[tilespmem:s11+$0x42E0] =	vst v0;
	s11 =	sshra.s32 s12, $0x2;
	s12 =	sadd.s32 $0x200, s12  }
0x2a: {  	[tilespmem:s11+$0x42F0] =	vst v0  }
0x2b: {  	[tilespmem:s11+$0x4280] =	vst v0  }
0x2c: {  	[tilespmem:s11+$0x4290] =	vst v0  }
0x2d: {  	[tilespmem:s11+$0x42A0] =	vst v0  }
0x2e: {  	[tilespmem:s11+$0x42B0] =	vst v0  }
0x2f: {  	[tilespmem:s11+$0x42C0] =	vst v0  }
0x30: {  	[tilespmem:s11+$0x42D0] =	vst v0  }
0x31: {  	[tilespmem:s11+$0x42E0] =	vst v0;
	s11 =	simm.s32 $0x0;
	s12 =	simm.s32 $0x200  }
.LBB2_4:
0x32: {  	p0 =	sne.s32 s12, $0xFE00;
	[tilespmem:s11+$0x2F0] =	vst v1  }
0x33: {  	[tilespmem:s11+$0x280] =	vst v1  }
0x34: {  	[tilespmem:s11+$0x290] =	vst v1  }
.Ltmp1:
0x35: {  	[tilespmem:s11+$0x2A0] =	vst v1;
	(pc) =	sbr.rel @p0 .LBB2_4-.Ltmp1, $4  }
0x36: {  	[tilespmem:s11+$0x2B0] =	vst v1  }
0x37: {  	[tilespmem:s11+$0x2C0] =	vst v1  }
0x38: {  	[tilespmem:s11+$0x2D0] =	vst v1  }
0x39: {  	[tilespmem:s11+$0x2E0] =	vst v1;
	s11 =	sshra.s32 s12, $0x2;
	s12 =	sadd.s32 $0x200, s12  }
0x3a: {  	[tilespmem:s11+$0x2F0] =	vst v1  }
0x3b: {  	[tilespmem:s11+$0x280] =	vst v1  }
0x3c: {  	[tilespmem:s11+$0x290] =	vst v1  }
0x3d: {  	[tilespmem:s11+$0x2A0] =	vst v1  }
0x3e: {  	[tilespmem:s11+$0x2B0] =	vst v1  }
0x3f: {  	[tilespmem:s11+$0x2C0] =	vst v1  }
0x40: {  	[tilespmem:s11+$0x2D0] =	vst v1  }
0x41: {  	[tilespmem:s11+$0x2E0] =	vst v1;
	s13 =	simm.s32 $0x0  }
0x42: {  	[tilespmem:s25], [sflag:$0x2] =	stream.linear.gather [hbm4b:s4+s13], $0x80, $0x38;
	[tilespmem:$0x1BE80] =	vst v63  }
0x43: {  	_ =	swait.ge [sflag:s26], $0x80  }
0x44: {  	[sflag:s26] =	ssyncset.done $0x0  }
0x45: {  	[sflag:s26] =	ssyncadd.s32 $0xFFFFFF80  }
0x46: {  	[spmem:s3] =	stream.indirect.scatter [tilespmem:s29], [sflag:$0x2], $0x80, s25, s28, $0xb8;
	[tilespmem:$0x1BE80] =	vst v63  }
0x47: {  	_ =	swait.ge [sflag:s26], $0x4000  }
0x48: {  	[sflag:s26] =	ssyncset.done $0x0  }
0x49: {  	[sflag:s26] =	ssyncadd.s32 $0xFFFFC000  }
0x4a: {  	[tilespmem:s25], [sflag:$0x2] =	stream.linear.gather [hbm4b:s5+s13], $0x80, $0x38;
	[tilespmem:$0x1BE80] =	vst v63  }
0x4b: {  	_ =	swait.ge [sflag:s26], $0x80  }
0x4c: {  	[sflag:s26] =	ssyncset.done $0x0  }
0x4d: {  	[sflag:s26] =	ssyncadd.s32 $0xFFFFFF80  }
0x4e: {  	[spmem:s3] =	stream.indirect.scatter [tilespmem:s29], [sflag:$0x2], $0x80, s25, s28, $0xb8;
	[tilespmem:$0x1BE80] =	vst v63  }
0x4f: {  	_ =	swait.ge [sflag:s26], $0x4000  }
0x50: {  	[sflag:s26] =	ssyncset.done $0x0  }
0x51: {  	[sflag:s26] =	ssyncadd.s32 $0xFFFFC000  }
0x52: {  	[tilespmem:s25], [sflag:$0x2] =	stream.linear.gather [hbm4b:s6+s13], $0x80, $0x38;
	[tilespmem:$0x1BE80] =	vst v63  }
0x53: {  	_ =	swait.ge [sflag:s26], $0x80  }
0x54: {  	[sflag:s26] =	ssyncset.done $0x0  }
0x55: {  	[sflag:s26] =	ssyncadd.s32 $0xFFFFFF80  }
0x56: {  	[spmem:s3] =	stream.indirect.scatter [tilespmem:s29], [sflag:$0x2], $0x80, s25, s28, $0xb8;
	[tilespmem:$0x1BE80] =	vst v63  }
0x57: {  	_ =	swait.ge [sflag:s26], $0x4000  }
0x58: {  	[sflag:s26] =	ssyncset.done $0x0  }
0x59: {  	[sflag:s26] =	ssyncadd.s32 $0xFFFFC000  }
0x5a: {  	[tilespmem:s25], [sflag:$0x2] =	stream.linear.gather [hbm4b:s7+s13], $0x80, $0x38;
	[tilespmem:$0x1BE80] =	vst v63  }
0x5b: {  	_ =	swait.ge [sflag:s26], $0x80  }
0x5c: {  	[sflag:s26] =	ssyncset.done $0x0  }
0x5d: {  	[sflag:s26] =	ssyncadd.s32 $0xFFFFFF80  }
0x5e: {  	[spmem:s3] =	stream.indirect.scatter [tilespmem:s29], [sflag:$0x2], $0x80, s25, s28, $0xb8;
	[tilespmem:$0x1BE80] =	vst v63  }
0x5f: {  	_ =	swait.ge [sflag:s26], $0x4000  }
0x60: {  	[sflag:s26] =	ssyncset.done $0x0  }
0x61: {  	[sflag:s26] =	ssyncadd.s32 $0xFFFFC000  }
0x62: {  	[tilespmem:s25], [sflag:$0x2] =	stream.linear.gather [hbm4b:s8+s13], $0x80, $0x38;
	[tilespmem:$0x1BE80] =	vst v63  }
0x63: {  	_ =	swait.ge [sflag:s26], $0x80  }
0x64: {  	[sflag:s26] =	ssyncset.done $0x0  }
0x65: {  	[sflag:s26] =	ssyncadd.s32 $0xFFFFFF80  }
0x66: {  	[spmem:s3] =	stream.indirect.scatter [tilespmem:s29], [sflag:$0x2], $0x80, s25, s28, $0xb8;
	[tilespmem:$0x1BE80] =	vst v63  }
0x67: {  	_ =	swait.ge [sflag:s26], $0x4000  }
0x68: {  	[sflag:s26] =	ssyncset.done $0x0  }
0x69: {  	[sflag:s26] =	ssyncadd.s32 $0xFFFFC000  }
0x6a: {  	s14 =	sadd.s32 $0x0, s24;
	[bflag:$0x0] =	sbarrier.arrive $0xFFFF  }
0x6b: {  	[tilespmem:s19], [sflag:$0x2] =	stream.linear.gather [hbm4b:s14+s19], $0x80, $0x38;
	[tilespmem:$0x1BE80] =	vst v63  }
0x6c: {  	_ =	swait.ge [sflag:s26], $0x80  }
0x6d: {  	[sflag:s26] =	ssyncset.done $0x0  }
0x6e: {  	s15 =	sadd.s32 $0x0, s23;
	[sflag:s26] =	ssyncadd.s32 $0xFFFFFF80  }
0x6f: {  	[tilespmem:s28], [sflag:$0x2] =	stream.linear.gather [hbm4b:s15+s19], $0x80, $0x38;
	[tilespmem:$0x1BE80] =	vst v63  }
0x70: {  	_ =	swait.ge [sflag:s26], $0x80  }
0x71: {  	[sflag:s26] =	ssyncset.done $0x0  }
0x72: {  	[sflag:s26] =	ssyncadd.s32 $0xFFFFFF80  }
0x73: {  	[tilespmem:s29], [sflag:$0x1] =	stream.indirect.gather [hbm4b:s2+s28], $0x80, s28, s28, $0xb8;
	[tilespmem:$0x1BE80] =	vst v63  }
0x74: {  	_ =	swait.ge [sflag:s30], $0x4000  }
0x75: {  	[sflag:s30] =	ssyncset.done $0x0  }
0x76: {  	[sflag:s30] =	ssyncadd.s32 $0xFFFFC000  }
0x77: {  	[spmem:s3] =	stream.indirect.scatter.add.f32 [tilespmem:s29], [sflag:$0x2], $0x80, s19, s28, $0xb8;
	[tilespmem:$0x1BE80] =	vst v63  }
0x78: {  	_ =	swait.ge [sflag:s26], $0x4000  }
0x79: {  	s11 =	simm.s32 $0x10;
	s12 =	simm.s32 $0x20;
	[sflag:s26] =	ssyncset.done $0x0  }
.LBB2_6:
0x7a: {  	s13 =	sadd.s32 s11, s24  }
0x7b: {  	[sflag:s26] =	ssyncadd.s32 $0xFFFFC000;
	s14 =	smov.u32 s12;
	s15 =	sadd.s32 $0x10, s12  }
0x7c: {  	[tilespmem:s19], [sflag:$0x2] =	stream.linear.gather [hbm4b:s13+s19], $0x80, $0x38;
	[tilespmem:$0x1BE80] =	vst v63  }
0x7d: {  	p0 =	sne.s32 s12, $0x4D0;
	_ =	swait.ge [sflag:s26], $0x80  }
0x7e: {  	[sflag:s26] =	ssyncset.done $0x0  }
0x7f: {  	s12 =	sadd.s32 s11, s23;
	s11 =	smov.u32 s14;
	[sflag:s26] =	ssyncadd.s32 $0xFFFFFF80  }
0x80: {  	[tilespmem:s28], [sflag:$0x2] =	stream.linear.gather [hbm4b:s12+s19], $0x80, $0x38;
	[tilespmem:$0x1BE80] =	vst v63  }
0x81: {  	_ =	swait.ge [sflag:s26], $0x80  }
0x82: {  	[sflag:s26] =	ssyncset.done $0x0  }
0x83: {  	[sflag:s26] =	ssyncadd.s32 $0xFFFFFF80  }
0x84: {  	[tilespmem:s29], [sflag:$0x1] =	stream.indirect.gather [hbm4b:s2+s28], $0x80, s28, s28, $0xb8;
	[tilespmem:$0x1BE80] =	vst v63  }
0x85: {  	_ =	swait.ge [sflag:s30], $0x4000  }
.Ltmp2:
0x86: {  	[sflag:s30] =	ssyncset.done $0x0;
	(pc) =	sbr.rel @p0 .LBB2_6-.Ltmp2, $4  }
0x87: {  	[sflag:s30] =	ssyncadd.s32 $0xFFFFC000  }
0x88: {  	[spmem:s3] =	stream.indirect.scatter.add.f32 [tilespmem:s29], [sflag:$0x2], $0x80, s19, s28, $0xb8;
	[tilespmem:$0x1BE80] =	vst v63  }
0x89: {  	_ =	swait.ge [sflag:s26], $0x4000  }
0x8a: {  	s12 =	smov.u32 s15;
	[sflag:s26] =	ssyncset.done $0x0  }
0x8b: {  	s12 =	sadd.s32 s11, s24;
	[sflag:s26] =	ssyncadd.s32 $0xFFFFC000  }
0x8c: {  	[tilespmem:s19], [sflag:$0x2] =	stream.linear.gather [hbm4b:s12+s19], $0x80, $0x38;
	[tilespmem:$0x1BE80] =	vst v63  }
0x8d: {  	_ =	swait.ge [sflag:s26], $0x80  }
0x8e: {  	[sflag:s26] =	ssyncset.done $0x0  }
0x8f: {  	s13 =	sadd.s32 s11, s23;
	[sflag:s26] =	ssyncadd.s32 $0xFFFFFF80  }
0x90: {  	[tilespmem:s28], [sflag:$0x2] =	stream.linear.gather [hbm4b:s13+s19], $0x80, $0x38;
	[tilespmem:$0x1BE80] =	vst v63  }
0x91: {  	_ =	swait.ge [sflag:s26], $0x80  }
0x92: {  	[sflag:s26] =	ssyncset.done $0x0  }
0x93: {  	[sflag:s26] =	ssyncadd.s32 $0xFFFFFF80  }
0x94: {  	[tilespmem:s29], [sflag:$0x1] =	stream.indirect.gather [hbm4b:s2+s28], $0x80, s28, s28, $0xb8;
	[tilespmem:$0x1BE80] =	vst v63  }
0x95: {  	_ =	swait.ge [sflag:s30], $0x4000  }
0x96: {  	[sflag:s30] =	ssyncset.done $0x0  }
0x97: {  	[sflag:s30] =	ssyncadd.s32 $0xFFFFC000  }
0x98: {  	[spmem:s3] =	stream.indirect.scatter.add.f32 [tilespmem:s29], [sflag:$0x2], $0x80, s19, s28, $0xb8;
	[tilespmem:$0x1BE80] =	vst v63  }
0x99: {  	_ =	swait.ge [sflag:s26], $0x4000  }
0x9a: {  	[sflag:s26] =	ssyncset.done $0x0  }
0x9b: {  	s11 =	simm.s32 $0x0;
	[sflag:s26] =	ssyncadd.s32 $0xFFFFC000  }
0x9c: {  	[tilespmem:s31], [sflag:$0x2] =	stream.linear.gather [hbm4b:s20+s11], $0x10, $0x38;
	[tilespmem:$0x1BE80] =	vst v63  }
0x9d: {  	_ =	swait.ge [sflag:s26], $0x10  }
0x9e: {  	[sflag:s26] =	ssyncset.done $0x0  }
0x9f: {  	[sflag:s26] =	ssyncadd.s32 $0xFFFFFFF0  }
0xa0: {  	[tilespmem:s0], [sflag:$0x2] =	stream.linear.gather [hbm4b:s21+s11], $0x10, $0x38;
	[tilespmem:$0x1BE80] =	vst v63  }
0xa1: {  	_ =	swait.ge [sflag:s26], $0x10  }
0xa2: {  	[sflag:s26] =	ssyncset.done $0x0  }
0xa3: {  	[sflag:s26] =	ssyncadd.s32 $0xFFFFFFF0  }
0xa4: {  	[tilespmem:s29], [sflag:$0x1] =	stream.indirect.gather [hbm4b:s2+s1], $0x80, s0, s1, $0xb8;
	[tilespmem:$0x1BE80] =	vst v63  }
0xa5: {  	_ =	swait.ge [sflag:s30], $0x800  }
0xa6: {  	[sflag:s30] =	ssyncset.done $0x0  }
0xa7: {  	[sflag:s30] =	ssyncadd.s32 $0xFFFFF800  }
0xa8: {  	[spmem:s3] =	stream.indirect.scatter.add.f32 [tilespmem:s29], [sflag:$0x2], $0x80, s31, s1, $0xb8;
	[tilespmem:$0x1BE80] =	vst v63  }
0xa9: {  	_ =	swait.ge [sflag:s26], $0x800  }
0xaa: {  	[sflag:s26] =	ssyncset.done $0x0  }
0xab: {  	[sflag:s26] =	ssyncadd.s32 $0xFFFFF800  }
0xac: {  	[bflag:$0x0] =	sbarrier.arrive $0xFFFF  }
0xad: {  	[tilespmem:s25], [sflag:$0x2] =	stream.linear.gather [hbm4b:s4+s11], $0x80, $0x38;
	[tilespmem:$0x1BE80] =	vst v63  }
0xae: {  	_ =	swait.ge [sflag:s26], $0x80  }
0xaf: {  	[sflag:s26] =	ssyncset.done $0x0  }
0xb0: {  	[sflag:s26] =	ssyncadd.s32 $0xFFFFFF80  }
0xb1: {  	[tilespmem:s29], [sflag:$0x1] =	stream.indirect.gather [spmem:s3], $0x80, s25, s28, $0xb8;
	[tilespmem:$0x1BE80] =	vst v63  }
0xb2: {  	_ =	swait.ge [sflag:s30], $0x4000  }
0xb3: {  	[sflag:s30] =	ssyncset.done $0x0  }
0xb4: {  	s14 =	rddreg [dreg:$0x5];
	[sflag:s30] =	ssyncadd.s32 $0xFFFFC000  }
0xb5: {  	[hbm4b:s14+s11] =	stream.linear.scatter [tilespmem:s29], [sflag:$0x2], $0x4000, $0x38;
	[tilespmem:$0x1BE80] =	vst v63  }
0xb6: {  	_ =	swait.ge [sflag:s26], $0x4000  }
0xb7: {  	[sflag:s26] =	ssyncset.done $0x0  }
0xb8: {  	[sflag:s26] =	ssyncadd.s32 $0xFFFFC000  }
0xb9: {  	[tilespmem:s25], [sflag:$0x2] =	stream.linear.gather [hbm4b:s5+s11], $0x80, $0x38;
	[tilespmem:$0x1BE80] =	vst v63  }
0xba: {  	_ =	swait.ge [sflag:s26], $0x80  }
0xbb: {  	[sflag:s26] =	ssyncset.done $0x0  }
0xbc: {  	[sflag:s26] =	ssyncadd.s32 $0xFFFFFF80  }
0xbd: {  	[tilespmem:s29], [sflag:$0x1] =	stream.indirect.gather [spmem:s3], $0x80, s25, s28, $0xb8;
	[tilespmem:$0x1BE80] =	vst v63  }
0xbe: {  	_ =	swait.ge [sflag:s30], $0x4000  }
0xbf: {  	[sflag:s30] =	ssyncset.done $0x0  }
0xc0: {  	s15 =	rddreg [dreg:$0x6];
	[sflag:s30] =	ssyncadd.s32 $0xFFFFC000  }
0xc1: {  	[hbm4b:s15+s11] =	stream.linear.scatter [tilespmem:s29], [sflag:$0x2], $0x4000, $0x38;
	[tilespmem:$0x1BE80] =	vst v63  }
0xc2: {  	_ =	swait.ge [sflag:s26], $0x4000  }
0xc3: {  	[sflag:s26] =	ssyncset.done $0x0  }
0xc4: {  	[sflag:s26] =	ssyncadd.s32 $0xFFFFC000  }
0xc5: {  	[tilespmem:s25], [sflag:$0x2] =	stream.linear.gather [hbm4b:s6+s11], $0x80, $0x38;
	[tilespmem:$0x1BE80] =	vst v63  }
0xc6: {  	_ =	swait.ge [sflag:s26], $0x80  }
0xc7: {  	[sflag:s26] =	ssyncset.done $0x0  }
0xc8: {  	[sflag:s26] =	ssyncadd.s32 $0xFFFFFF80  }
0xc9: {  	[tilespmem:s29], [sflag:$0x1] =	stream.indirect.gather [spmem:s3], $0x80, s25, s28, $0xb8;
	[tilespmem:$0x1BE80] =	vst v63  }
0xca: {  	_ =	swait.ge [sflag:s30], $0x4000  }
0xcb: {  	[sflag:s30] =	ssyncset.done $0x0  }
0xcc: {  	s13 =	rddreg [dreg:$0x7];
	[sflag:s30] =	ssyncadd.s32 $0xFFFFC000  }
0xcd: {  	[hbm4b:s13+s11] =	stream.linear.scatter [tilespmem:s29], [sflag:$0x2], $0x4000, $0x38;
	[tilespmem:$0x1BE80] =	vst v63  }
0xce: {  	_ =	swait.ge [sflag:s26], $0x4000  }
0xcf: {  	[sflag:s26] =	ssyncset.done $0x0  }
0xd0: {  	[sflag:s26] =	ssyncadd.s32 $0xFFFFC000  }
0xd1: {  	[tilespmem:s25], [sflag:$0x2] =	stream.linear.gather [hbm4b:s7+s11], $0x80, $0x38;
	[tilespmem:$0x1BE80] =	vst v63  }
0xd2: {  	_ =	swait.ge [sflag:s26], $0x80  }
0xd3: {  	[sflag:s26] =	ssyncset.done $0x0  }
0xd4: {  	[sflag:s26] =	ssyncadd.s32 $0xFFFFFF80  }
0xd5: {  	[tilespmem:s29], [sflag:$0x1] =	stream.indirect.gather [spmem:s3], $0x80, s25, s28, $0xb8;
	[tilespmem:$0x1BE80] =	vst v63  }
0xd6: {  	_ =	swait.ge [sflag:s30], $0x4000  }
0xd7: {  	[sflag:s30] =	ssyncset.done $0x0  }
0xd8: {  	s14 =	rddreg [dreg:$0x8];
	[sflag:s30] =	ssyncadd.s32 $0xFFFFC000  }
0xd9: {  	[hbm4b:s14+s11] =	stream.linear.scatter [tilespmem:s29], [sflag:$0x2], $0x4000, $0x38;
	[tilespmem:$0x1BE80] =	vst v63  }
0xda: {  	_ =	swait.ge [sflag:s26], $0x4000  }
0xdb: {  	[sflag:s26] =	ssyncset.done $0x0  }
0xdc: {  	[sflag:s26] =	ssyncadd.s32 $0xFFFFC000  }
0xdd: {  	[tilespmem:s25], [sflag:$0x2] =	stream.linear.gather [hbm4b:s8+s11], $0x80, $0x38;
	[tilespmem:$0x1BE80] =	vst v63  }
0xde: {  	_ =	swait.ge [sflag:s26], $0x80  }
0xdf: {  	[sflag:s26] =	ssyncset.done $0x0  }
0xe0: {  	[sflag:s26] =	ssyncadd.s32 $0xFFFFFF80  }
0xe1: {  	[tilespmem:s29], [sflag:$0x1] =	stream.indirect.gather [spmem:s3], $0x80, s25, s28, $0xb8;
	[tilespmem:$0x1BE80] =	vst v63  }
0xe2: {  	_ =	swait.ge [sflag:s30], $0x4000  }
0xe3: {  	[sflag:s30] =	ssyncset.done $0x0  }
0xe4: {  	s15 =	rddreg [dreg:$0x9];
	[sflag:s30] =	ssyncadd.s32 $0xFFFFC000  }
0xe5: {  	[hbm4b:s15+s11] =	stream.linear.scatter [tilespmem:s29], [sflag:$0x2], $0x4000, $0x38;
	[tilespmem:$0x1BE80] =	vst v63  }
0xe6: {  	_ =	swait.ge [sflag:s26], $0x4000  }
0xe7: {  	[sflag:s26] =	ssyncset.done $0x0  }
0xe8: {  	[sflag:s26] =	ssyncadd.s32 $0xFFFFC000  }
0xe9: {  	s12 =	simm.s32 $0x200;
	s11 =	simm.s32 $0x0;
	[bflag:$0x0] =	sbarrier.arrive $0xFFFF  }
.LBB2_8:
0xea: {  	p0 =	sne.s32 s12, $0xFE00;
	[tilespmem:s11+$0x2F0] =	vst v1  }
0xeb: {  	[tilespmem:s11+$0x280] =	vst v1  }
0xec: {  	[tilespmem:s11+$0x290] =	vst v1  }
.Ltmp3:
0xed: {  	[tilespmem:s11+$0x2A0] =	vst v1;
	(pc) =	sbr.rel @p0 .LBB2_8-.Ltmp3, $4  }
0xee: {  	[tilespmem:s11+$0x2B0] =	vst v1  }
0xef: {  	[tilespmem:s11+$0x2C0] =	vst v1  }
0xf0: {  	[tilespmem:s11+$0x2D0] =	vst v1  }
0xf1: {  	[tilespmem:s11+$0x2E0] =	vst v1;
	s11 =	sshra.s32 s12, $0x2;
	s12 =	sadd.s32 $0x200, s12  }
0xf2: {  	[tilespmem:s11+$0x2F0] =	vst v1  }
0xf3: {  	[tilespmem:s11+$0x280] =	vst v1  }
0xf4: {  	[tilespmem:s11+$0x290] =	vst v1  }
0xf5: {  	[tilespmem:s11+$0x2A0] =	vst v1  }
0xf6: {  	[tilespmem:s11+$0x2B0] =	vst v1  }
0xf7: {  	[tilespmem:s11+$0x2C0] =	vst v1  }
0xf8: {  	[tilespmem:s11+$0x2D0] =	vst v1  }
0xf9: {  	[tilespmem:s11+$0x2E0] =	vst v1;
	s14 =	simm.s32 $0x0  }
0xfa: {  	[tilespmem:s25], [sflag:$0x2] =	stream.linear.gather [hbm4b:s4+s14], $0x80, $0x38;
	[tilespmem:$0x1BE80] =	vst v63  }
0xfb: {  	_ =	swait.ge [sflag:s26], $0x80  }
0xfc: {  	[sflag:s26] =	ssyncset.done $0x0  }
0xfd: {  	[sflag:s26] =	ssyncadd.s32 $0xFFFFFF80  }
0xfe: {  	[spmem:s3] =	stream.indirect.scatter [tilespmem:s29], [sflag:$0x2], $0x80, s25, s28, $0xb8;
	[tilespmem:$0x1BE80] =	vst v63  }
0xff: {  	_ =	swait.ge [sflag:s26], $0x4000  }
0x100: {  	[sflag:s26] =	ssyncset.done $0x0  }
0x101: {  	[sflag:s26] =	ssyncadd.s32 $0xFFFFC000  }
0x102: {  	[tilespmem:s25], [sflag:$0x2] =	stream.linear.gather [hbm4b:s5+s14], $0x80, $0x38;
	[tilespmem:$0x1BE80] =	vst v63  }
0x103: {  	_ =	swait.ge [sflag:s26], $0x80  }
0x104: {  	[sflag:s26] =	ssyncset.done $0x0  }
0x105: {  	[sflag:s26] =	ssyncadd.s32 $0xFFFFFF80  }
0x106: {  	[spmem:s3] =	stream.indirect.scatter [tilespmem:s29], [sflag:$0x2], $0x80, s25, s28, $0xb8;
	[tilespmem:$0x1BE80] =	vst v63  }
0x107: {  	_ =	swait.ge [sflag:s26], $0x4000  }
0x108: {  	[sflag:s26] =	ssyncset.done $0x0  }
0x109: {  	[sflag:s26] =	ssyncadd.s32 $0xFFFFC000  }
0x10a: {  	[tilespmem:s25], [sflag:$0x2] =	stream.linear.gather [hbm4b:s6+s14], $0x80, $0x38;
	[tilespmem:$0x1BE80] =	vst v63  }
0x10b: {  	_ =	swait.ge [sflag:s26], $0x80  }
0x10c: {  	[sflag:s26] =	ssyncset.done $0x0  }
0x10d: {  	[sflag:s26] =	ssyncadd.s32 $0xFFFFFF80  }
0x10e: {  	[spmem:s3] =	stream.indirect.scatter [tilespmem:s29], [sflag:$0x2], $0x80, s25, s28, $0xb8;
	[tilespmem:$0x1BE80] =	vst v63  }
0x10f: {  	_ =	swait.ge [sflag:s26], $0x4000  }
0x110: {  	[sflag:s26] =	ssyncset.done $0x0  }
0x111: {  	[sflag:s26] =	ssyncadd.s32 $0xFFFFC000  }
0x112: {  	[tilespmem:s25], [sflag:$0x2] =	stream.linear.gather [hbm4b:s7+s14], $0x80, $0x38;
	[tilespmem:$0x1BE80] =	vst v63  }
0x113: {  	_ =	swait.ge [sflag:s26], $0x80  }
0x114: {  	[sflag:s26] =	ssyncset.done $0x0  }
0x115: {  	[sflag:s26] =	ssyncadd.s32 $0xFFFFFF80  }
0x116: {  	[spmem:s3] =	stream.indirect.scatter [tilespmem:s29], [sflag:$0x2], $0x80, s25, s28, $0xb8;
	[tilespmem:$0x1BE80] =	vst v63  }
0x117: {  	_ =	swait.ge [sflag:s26], $0x4000  }
0x118: {  	[sflag:s26] =	ssyncset.done $0x0  }
0x119: {  	[sflag:s26] =	ssyncadd.s32 $0xFFFFC000  }
0x11a: {  	[tilespmem:s25], [sflag:$0x2] =	stream.linear.gather [hbm4b:s8+s14], $0x80, $0x38;
	[tilespmem:$0x1BE80] =	vst v63  }
0x11b: {  	_ =	swait.ge [sflag:s26], $0x80  }
0x11c: {  	[sflag:s26] =	ssyncset.done $0x0  }
0x11d: {  	[sflag:s26] =	ssyncadd.s32 $0xFFFFFF80  }
0x11e: {  	[spmem:s3] =	stream.indirect.scatter [tilespmem:s29], [sflag:$0x2], $0x80, s25, s28, $0xb8;
	[tilespmem:$0x1BE80] =	vst v63  }
0x11f: {  	_ =	swait.ge [sflag:s26], $0x4000  }
0x120: {  	[sflag:s26] =	ssyncset.done $0x0  }
0x121: {  	[sflag:s26] =	ssyncadd.s32 $0xFFFFC000  }
0x122: {  	s15 =	sadd.s32 $0x0, s24;
	[bflag:$0x0] =	sbarrier.arrive $0xFFFF  }
0x123: {  	[tilespmem:s19], [sflag:$0x2] =	stream.linear.gather [hbm4b:s15+s19], $0x80, $0x38;
	[tilespmem:$0x1BE80] =	vst v63  }
0x124: {  	_ =	swait.ge [sflag:s26], $0x80  }
0x125: {  	[sflag:s26] =	ssyncset.done $0x0  }
0x126: {  	[sflag:s26] =	ssyncadd.s32 $0xFFFFFF80  }
0x127: {  	[spmem:s3] =	stream.indirect.scatter.add.f32 [tilespmem:s9], [sflag:$0x2], $0x80, s19, s28, $0xb8;
	[tilespmem:$0x1BE80] =	vst v63  }
0x128: {  	_ =	swait.ge [sflag:s26], $0x4000  }
0x129: {  	s11 =	simm.s32 $0x10;
	s12 =	simm.s32 $0x20;
	[sflag:s26] =	ssyncset.done $0x0  }
.LBB2_10:
0x12a: {  	s13 =	sadd.s32 s11, s24  }
0x12b: {  	[sflag:s26] =	ssyncadd.s32 $0xFFFFC000;
	s11 =	smov.u32 s12;
	s14 =	sadd.s32 $0x10, s12  }
0x12c: {  	[tilespmem:s19], [sflag:$0x2] =	stream.linear.gather [hbm4b:s13+s19], $0x80, $0x38;
	[tilespmem:$0x1BE80] =	vst v63  }
0x12d: {  	p0 =	sne.s32 s12, $0x4D0;
	_ =	swait.ge [sflag:s26], $0x80  }
.Ltmp4:
0x12e: {  	[sflag:s26] =	ssyncset.done $0x0;
	(pc) =	sbr.rel @p0 .LBB2_10-.Ltmp4, $4  }
0x12f: {  	[sflag:s26] =	ssyncadd.s32 $0xFFFFFF80  }
0x130: {  	[spmem:s3] =	stream.indirect.scatter.add.f32 [tilespmem:s9], [sflag:$0x2], $0x80, s19, s28, $0xb8;
	[tilespmem:$0x1BE80] =	vst v63  }
0x131: {  	_ =	swait.ge [sflag:s26], $0x4000  }
0x132: {  	s12 =	smov.u32 s14;
	[sflag:s26] =	ssyncset.done $0x0  }
0x133: {  	s11 =	sadd.s32 s11, s24;
	[sflag:s26] =	ssyncadd.s32 $0xFFFFC000  }
0x134: {  	[tilespmem:s19], [sflag:$0x2] =	stream.linear.gather [hbm4b:s11+s19], $0x80, $0x38;
	[tilespmem:$0x1BE80] =	vst v63  }
0x135: {  	_ =	swait.ge [sflag:s26], $0x80  }
0x136: {  	[sflag:s26] =	ssyncset.done $0x0  }
0x137: {  	[sflag:s26] =	ssyncadd.s32 $0xFFFFFF80  }
0x138: {  	[spmem:s3] =	stream.indirect.scatter.add.f32 [tilespmem:s9], [sflag:$0x2], $0x80, s19, s28, $0xb8;
	[tilespmem:$0x1BE80] =	vst v63  }
0x139: {  	_ =	swait.ge [sflag:s26], $0x4000  }
0x13a: {  	[sflag:s26] =	ssyncset.done $0x0  }
0x13b: {  	[sflag:s26] =	ssyncadd.s32 $0xFFFFC000  }
0x13c: {  	[tilespmem:s31], [sflag:$0x2] =	stream.linear.gather [hbm4b:s20+s19], $0x10, $0x38;
	[tilespmem:$0x1BE80] =	vst v63  }
0x13d: {  	_ =	swait.ge [sflag:s26], $0x10  }
0x13e: {  	[sflag:s26] =	ssyncset.done $0x0  }
0x13f: {  	[sflag:s26] =	ssyncadd.s32 $0xFFFFFFF0  }
0x140: {  	[spmem:s3] =	stream.indirect.scatter.add.f32 [tilespmem:s9], [sflag:$0x2], $0x80, s31, s1, $0xb8;
	[tilespmem:$0x1BE80] =	vst v63  }
0x141: {  	_ =	swait.ge [sflag:s26], $0x800  }
0x142: {  	[sflag:s26] =	ssyncset.done $0x0  }
0x143: {  	[sflag:s26] =	ssyncadd.s32 $0xFFFFF800  }
0x144: {  	[bflag:$0x0] =	sbarrier.arrive $0xFFFF  }
0x145: {  	[tilespmem:s25], [sflag:$0x2] =	stream.linear.gather [hbm4b:s4+s19], $0x80, $0x38;
	[tilespmem:$0x1BE80] =	vst v63  }
0x146: {  	_ =	swait.ge [sflag:s26], $0x80  }
0x147: {  	[sflag:s26] =	ssyncset.done $0x0  }
0x148: {  	[sflag:s26] =	ssyncadd.s32 $0xFFFFFF80  }
0x149: {  	[tilespmem:s29], [sflag:$0x1] =	stream.indirect.gather [spmem:s3], $0x80, s25, s28, $0xb8;
	[tilespmem:$0x1BE80] =	vst v63  }
0x14a: {  	_ =	swait.ge [sflag:s30], $0x4000  }
0x14b: {  	[sflag:s30] =	ssyncset.done $0x0  }
0x14c: {  	s14 =	rddreg [dreg:$0xa];
	[sflag:s30] =	ssyncadd.s32 $0xFFFFC000  }
0x14d: {  	[hbm4b:s14+s19] =	stream.linear.scatter [tilespmem:s29], [sflag:$0x2], $0x4000, $0x38;
	[tilespmem:$0x1BE80] =	vst v63  }
0x14e: {  	_ =	swait.ge [sflag:s26], $0x4000  }
0x14f: {  	[sflag:s26] =	ssyncset.done $0x0  }
0x150: {  	[sflag:s26] =	ssyncadd.s32 $0xFFFFC000  }
0x151: {  	[tilespmem:s25], [sflag:$0x2] =	stream.linear.gather [hbm4b:s5+s19], $0x80, $0x38;
	[tilespmem:$0x1BE80] =	vst v63  }
0x152: {  	_ =	swait.ge [sflag:s26], $0x80  }
0x153: {  	[sflag:s26] =	ssyncset.done $0x0  }
0x154: {  	[sflag:s26] =	ssyncadd.s32 $0xFFFFFF80  }
0x155: {  	[tilespmem:s29], [sflag:$0x1] =	stream.indirect.gather [spmem:s3], $0x80, s25, s28, $0xb8;
	[tilespmem:$0x1BE80] =	vst v63  }
0x156: {  	_ =	swait.ge [sflag:s30], $0x4000  }
0x157: {  	[sflag:s30] =	ssyncset.done $0x0  }
0x158: {  	s15 =	rddreg [dreg:$0xb];
	[sflag:s30] =	ssyncadd.s32 $0xFFFFC000  }
0x159: {  	[hbm4b:s15+s19] =	stream.linear.scatter [tilespmem:s29], [sflag:$0x2], $0x4000, $0x38;
	[tilespmem:$0x1BE80] =	vst v63  }
0x15a: {  	_ =	swait.ge [sflag:s26], $0x4000  }
0x15b: {  	[sflag:s26] =	ssyncset.done $0x0  }
0x15c: {  	[sflag:s26] =	ssyncadd.s32 $0xFFFFC000  }
0x15d: {  	[tilespmem:s25], [sflag:$0x2] =	stream.linear.gather [hbm4b:s6+s19], $0x80, $0x38;
	[tilespmem:$0x1BE80] =	vst v63  }
0x15e: {  	_ =	swait.ge [sflag:s26], $0x80  }
0x15f: {  	[sflag:s26] =	ssyncset.done $0x0  }
0x160: {  	[sflag:s26] =	ssyncadd.s32 $0xFFFFFF80  }
0x161: {  	[tilespmem:s29], [sflag:$0x1] =	stream.indirect.gather [spmem:s3], $0x80, s25, s28, $0xb8;
	[tilespmem:$0x1BE80] =	vst v63  }
0x162: {  	_ =	swait.ge [sflag:s30], $0x4000  }
0x163: {  	[sflag:s30] =	ssyncset.done $0x0  }
0x164: {  	[sflag:s30] =	ssyncadd.s32 $0xFFFFC000  }
0x165: {  	[hbm4b:s16+s19] =	stream.linear.scatter [tilespmem:s29], [sflag:$0x2], $0x4000, $0x38;
	[tilespmem:$0x1BE80] =	vst v63  }
0x166: {  	_ =	swait.ge [sflag:s26], $0x4000  }
0x167: {  	[sflag:s26] =	ssyncset.done $0x0  }
0x168: {  	[sflag:s26] =	ssyncadd.s32 $0xFFFFC000  }
0x169: {  	[tilespmem:s25], [sflag:$0x2] =	stream.linear.gather [hbm4b:s7+s19], $0x80, $0x38;
	[tilespmem:$0x1BE80] =	vst v63  }
0x16a: {  	_ =	swait.ge [sflag:s26], $0x80  }
0x16b: {  	[sflag:s26] =	ssyncset.done $0x0  }
0x16c: {  	[sflag:s26] =	ssyncadd.s32 $0xFFFFFF80  }
0x16d: {  	[tilespmem:s29], [sflag:$0x1] =	stream.indirect.gather [spmem:s3], $0x80, s25, s28, $0xb8;
	[tilespmem:$0x1BE80] =	vst v63  }
0x16e: {  	_ =	swait.ge [sflag:s30], $0x4000  }
0x16f: {  	[sflag:s30] =	ssyncset.done $0x0  }
0x170: {  	[sflag:s30] =	ssyncadd.s32 $0xFFFFC000  }
0x171: {  	[hbm4b:s17+s19] =	stream.linear.scatter [tilespmem:s29], [sflag:$0x2], $0x4000, $0x38;
	[tilespmem:$0x1BE80] =	vst v63  }
0x172: {  	_ =	swait.ge [sflag:s26], $0x4000  }
0x173: {  	[sflag:s26] =	ssyncset.done $0x0  }
0x174: {  	[sflag:s26] =	ssyncadd.s32 $0xFFFFC000  }
0x175: {  	[tilespmem:s25], [sflag:$0x2] =	stream.linear.gather [hbm4b:s8+s19], $0x80, $0x38;
	[tilespmem:$0x1BE80] =	vst v63  }
0x176: {  	_ =	swait.ge [sflag:s26], $0x80  }
0x177: {  	[sflag:s26] =	ssyncset.done $0x0  }
0x178: {  	[sflag:s26] =	ssyncadd.s32 $0xFFFFFF80  }
0x179: {  	[tilespmem:s29], [sflag:$0x1] =	stream.indirect.gather [spmem:s3], $0x80, s25, s28, $0xb8;
	[tilespmem:$0x1BE80] =	vst v63  }
0x17a: {  	s10 =	sadd.s32 $0x1, s10;
	_ =	swait.ge [sflag:s30], $0x4000  }
0x17b: {  	p0 =	sne.s32 s10, s22;
	[sflag:s30] =	ssyncset.done $0x0  }
.Ltmp5:
0x17c: {  	[sflag:s30] =	ssyncadd.s32 $0xFFFFC000;
	(pc) =	sbr.rel @p0 .LBB2_1-.Ltmp5, $4  }
0x17d: {  	[hbm4b:s18+s19] =	stream.linear.scatter [tilespmem:s29], [sflag:$0x2], $0x4000, $0x38;
	[tilespmem:$0x1BE80] =	vst v63  }
0x17e: {  	_ =	swait.ge [sflag:s26], $0x4000  }
0x17f: {  	[sflag:s26] =	ssyncset.done $0x0  }
0x180: {  	[sflag:s26] =	ssyncadd.s32 $0xFFFFC000  }
0x181: {  	_ =	sfence.sel $0x180000  }
0x182: {  	[bflag:$0x0] =	sbarrier.arrive $0xFFFF  }
0x183: {  	_ =	strace $0x90000047  }
0x184: {  	s0 =	stileid.u32;
	[bflag:$0x2] =	sbarrier.arrive $0xFFFF  }
0x185: {  	p0 =	sne.s32 s0, $0x0;
	s0 =	rddreg [dreg:$0x4]  }
0x186: {  	s0 =	sadd.s32 @!p0 $0x100000, s0  }
0x187: {  	[sflag:s0] =	ssyncadd.tile.s32 @!p0 $0x1;
	_ =	shalt  }
.Lfunc_end2:
_tile_overlayer_lowered:
.L_overlay_start_2:
0x188: {  	(tag) =	ssettag $0x2  }
0x189: {  	s0 =	rddreg [dreg:$0x0];
	s2 =	stileid.u32  }
0x18a: {  	s1 =	rddreg [dreg:$0x1];
	p0 =	sne.s32 s2, $0x0  }
0x18b: {  	s3 =	rddreg [dreg:$0x2];
	[bflag:$0x3] =	sbarrier.arrive $0xFFFF;
	s2 =	simm.s32 @!p0 $0x1C02  }
0x18c: {  	[timem:s3], [sflag:s2] =	dma.local @!p0 [hbm:s0], s1  }
0x18d: {  	s0 =	simm.s32 @!p0 $0x2  }
0x18e: {  	_ =	swait.ge @!p0 [sflag:s0], s1  }
0x18f: {  	s1 =	ssub.s32 @!p0 $0x0, s1;
	[sflag:s0] =	ssyncset.done @!p0 $0x0  }
0x190: {  	[sflag:s0] =	ssyncadd.s32 @!p0 s1  }
0x191: {  	[bflag:$0x3] =	sbarrier.arrive $0xFFFF  }
0x192: {  	_ =	shalt  }

</sc_bundles>
